<compile_context>
chip_gen: v7x
topology: tpu7x:2x2x1
jax: 0.10.2.dev20260603
libtpu: 0.0.44.dev20260713+nightly
codegen_flags: <defaults>
</compile_context>

<pallas_src>
import functools

import jax
import jax.numpy as jnp
from jax import lax
from jax.experimental import pallas as pl
from jax.experimental.pallas import tpu as pltpu
from jax.experimental.pallas import tpu_sc as plsc

_NC = 2
_NS = 16
_NW = _NC * _NS
_LW = 16
_RC = 128
_TABP = 1024


def _sc_body(ts_hbm, taba_hbm, tabs_hbm, x_hbm, n_hbm, out_hbm,
             ca_v, cs_v, t_v, xb, nb, ob, sem_in, sem_out):
    F = x_hbm.shape[0]
    nchunks = F // _RC
    c = lax.axis_index("c")
    s = lax.axis_index("s")
    wid = s * _NC + c
    c0 = wid * 128

    pltpu.sync_copy(ts_hbm.at[pl.ds(c0, 128)], t_v)
    pltpu.async_copy(taba_hbm.at[t_v], ca_v, sem_in.at[0]).wait()
    pltpu.async_copy(tabs_hbm.at[t_v], cs_v, sem_in.at[0]).wait()

    cas = [ca_v[pl.ds(j * _LW, _LW)] for j in range(8)]
    css = [cs_v[pl.ds(j * _LW, _LW)] for j in range(8)]

    def start_in(g, b):
        r0 = g * _RC
        pltpu.async_copy(x_hbm.at[pl.ds(r0, _RC), pl.ds(c0, 128)],
                         xb.at[b], sem_in.at[b])
        pltpu.async_copy(n_hbm.at[pl.ds(r0, _RC), pl.ds(c0, 128)],
                         nb.at[b], sem_in.at[b])

    start_in(0, 0)
    start_in(1, 1)

    def chunk(g, b):
        pltpu.make_async_copy(x_hbm.at[pl.ds(0, _RC), pl.ds(c0, 128)],
                              xb.at[b], sem_in.at[b]).wait()
        pltpu.make_async_copy(n_hbm.at[pl.ds(0, _RC), pl.ds(c0, 128)],
                              nb.at[b], sem_in.at[b]).wait()
        xbr = xb.at[b]
        nbr = nb.at[b]
        obr = ob.at[b]

        def row(i, carry):
            for j in range(8):
                sl = pl.ds(j * _LW, _LW)
                obr[i, sl] = cas[j] * xbr[i, sl] + css[j] * nbr[i, sl]
            return carry

        lax.fori_loop(0, _RC, row, 0)

        @pl.when(g >= 2)
        def _():
            pltpu.make_async_copy(ob.at[b],
                                  out_hbm.at[pl.ds(0, _RC), pl.ds(c0, 128)],
                                  sem_out.at[b]).wait()

        pltpu.async_copy(ob.at[b], out_hbm.at[pl.ds(g * _RC, _RC),
                                              pl.ds(c0, 128)], sem_out.at[b])

        @pl.when(g + 2 < nchunks)
        def _():
            start_in(g + 2, b)

    def pair(g2, carry):
        chunk(g2 * 2, 0)
        chunk(g2 * 2 + 1, 1)
        return carry

    lax.fori_loop(0, nchunks // 2, pair, 0)

    for b in range(2):
        pltpu.make_async_copy(ob.at[b],
                              out_hbm.at[pl.ds(0, _RC), pl.ds(c0, 128)],
                              sem_out.at[b]).wait()


def kernel(x0, noise, timesteps, sqrt_alphas_cumprod, sqrt_one_minus_alphas_cumprod):
    B, C, H, W = x0.shape
    F = C * H * W
    x = x0.transpose(1, 2, 3, 0).reshape(F, B)
    n = noise.transpose(1, 2, 3, 0).reshape(F, B)
    steps = sqrt_alphas_cumprod.shape[0]
    taba = jnp.zeros((_TABP,), jnp.float32).at[:steps].set(sqrt_alphas_cumprod)
    tabs = jnp.zeros((_TABP,), jnp.float32).at[:steps].set(
        sqrt_one_minus_alphas_cumprod)

    mesh = plsc.VectorSubcoreMesh(core_axis_name="c", subcore_axis_name="s")
    run = functools.partial(
        pl.kernel,
        mesh=mesh,
        out_type=jax.ShapeDtypeStruct((F, B), jnp.float32),
        scratch_types=[
            pltpu.VMEM((128,), jnp.float32),
            pltpu.VMEM((128,), jnp.float32),
            pltpu.VMEM((128,), jnp.int32),
            pltpu.VMEM((2, _RC, 128), jnp.float32),
            pltpu.VMEM((2, _RC, 128), jnp.float32),
            pltpu.VMEM((2, _RC, 128), jnp.float32),
            pltpu.SemaphoreType.DMA((2,)),
            pltpu.SemaphoreType.DMA((2,)),
        ],
    )(_sc_body)
    out = run(timesteps, taba, tabs, x, n)
    return out.reshape(C, H, W, B).transpose(3, 0, 1, 2)

# --- scband reference (transcript-rebuilt; emitter-appended) ---
"""Pipeline reference for scband-ddpmscheduler-41171556499477 (READ-ONLY COPY).

The authoritative reference and input builder live on the scoring server;
editing this copy changes nothing except your own understanding.
"""

import jax, jax.numpy as jnp
import numpy as np

STEPS = 1000
BETA_START = 1e-4
BETA_END = 0.02

def _make_buffers():
    betas = np.linspace(BETA_START, BETA_END, STEPS, dtype=np.float64)
    alphas = 1.0 - betas
    alphas_cumprod = np.cumprod(alphas)
    sqrt_alphas_cumprod = np.sqrt(alphas_cumprod).astype(np.float32)
    sqrt_one_minus_alphas_cumprod = np.sqrt(1.0 - alphas_cumprod).astype(np.float32)
    return jnp.asarray(sqrt_alphas_cumprod), jnp.asarray(sqrt_one_minus_alphas_cumprod)

def setup_inputs(seed: int = 0) -> dict:
    key = jax.random.key(seed)
    k1, k2, k3 = jax.random.split(key, 3)
    x0 = jax.random.normal(k1, (4096, 4, 64, 64), dtype=jnp.float32)
    noise = jax.random.normal(k2, (4096, 4, 64, 64), dtype=jnp.float32)
    timesteps = jax.random.randint(k3, (4096,), 0, STEPS, dtype=jnp.int32)
    sqrt_alphas_cumprod, sqrt_one_minus_alphas_cumprod = _make_buffers()
    return {
        "x0": x0,
        "noise": noise,
        "timesteps": timesteps,
        "sqrt_alphas_cumprod": sqrt_alphas_cumprod,
        "sqrt_one_minus_alphas_cumprod": sqrt_one_minus_alphas_cumprod,
    }

def reference(x0, noise, timesteps, sqrt_alphas_cumprod, sqrt_one_minus_alphas_cumprod):
    # q_sample: q(x_t | x_0) = sqrt(alpha_bar_t) * x_0 + sqrt(1 - alpha_bar_t) * eps
    sqrt_alpha = jnp.take(sqrt_alphas_cumprod, timesteps, axis=0)
    sqrt_one_minus = jnp.take(sqrt_one_minus_alphas_cumprod, timesteps, axis=0)
    # broadcast per-sample scalars over remaining dims (while-loop unsqueeze in torch)
    extra = x0.ndim - sqrt_alpha.ndim
    sqrt_alpha = sqrt_alpha.reshape(sqrt_alpha.shape + (1,) * extra)
    sqrt_one_minus = sqrt_one_minus.reshape(sqrt_one_minus.shape + (1,) * extra)
    xt = sqrt_alpha * x0 + sqrt_one_minus * noise
    return xt

if __name__ == "__main__":
    import jax
    _d = setup_inputs()
    print(jax.jit(kernel)(*tuple(_d.values())))

</pallas_src>

<mosaic_0001>
#map = affine_map<(d0, d1) -> (0)>
#map1 = affine_map<(d0, d1) -> (0, 0)>
module attributes {stable_mosaic.version = 14 : i64} {
  func.func @_sc_body(%arg0: i32, %arg1: i32, %arg2: memref<4096xi32, #tpu.memory_space<hbm>>, %arg3: memref<1024xf32, #tpu.memory_space<hbm>>, %arg4: memref<1024xf32, #tpu.memory_space<hbm>>, %arg5: memref<16384x4096xf32, #tpu.memory_space<hbm>>, %arg6: memref<16384x4096xf32, #tpu.memory_space<hbm>>, %arg7: memref<16384x4096xf32, #tpu.memory_space<hbm>>, %arg8: memref<128xf32, #tpu.memory_space<vmem>>, %arg9: memref<128xf32, #tpu.memory_space<vmem>>, %arg10: memref<128xi32, #tpu.memory_space<vmem>>, %arg11: memref<2x128x128xf32, #tpu.memory_space<vmem>>, %arg12: memref<2x128x128xf32, #tpu.memory_space<vmem>>, %arg13: memref<2x128x128xf32, #tpu.memory_space<vmem>>, %arg14: memref<2x!tpu.dma_semaphore, #tpu.memory_space<semaphore_mem>>, %arg15: memref<2x!tpu.dma_semaphore, #tpu.memory_space<semaphore_mem>>) attributes {dimension_semantics = [#tpu.dimension_semantics<core_parallel>, #tpu.dimension_semantics<subcore_parallel>], iteration_bounds = array<i64: 2, 16>, scalar_prefetch = 0 : i64, scratch_operands = 8 : i64, tpu.core_type = #tpu.core_type<sc_vector_subcore>, window_params = [{transform_indices = #map}, {transform_indices = #map}, {transform_indices = #map}, {transform_indices = #map1}, {transform_indices = #map1}, {transform_indices = #map1}]} {
    %mul3A = arith.constant 2 : i32
    %mul3A_0 = arith.muli %arg1, %mul3A : i32
    %add3A = arith.addi %mul3A_0, %arg0 : i32
    %mul3A_1 = arith.constant 128 : i32
    %mul3A_2 = arith.muli %add3A, %mul3A_1 : i32
    "tpu.region"() ({
      %run_scoped3A = tpu.sem_alloc : memref<!tpu.dma_semaphore, #tpu.memory_space<semaphore_mem>>
      %dma_start3A_169 = tpu.memref_slice %arg2[%mul3A_2] : memref<4096xi32, #tpu.memory_space<hbm>> -> memref<128xi32, #tpu.memory_space<hbm>>
      %dma_start3A_170 = tpu.memref_slice %arg2[%mul3A_2] : memref<4096xi32, #tpu.memory_space<hbm>> -> memref<128xi32, #tpu.memory_space<hbm>>
      tpu.enqueue_dma source(%dma_start3A_170 : memref<128xi32, #tpu.memory_space<hbm>>) target(%arg10 : memref<128xi32, #tpu.memory_space<vmem>>) target_semaphore(%run_scoped3A : memref<!tpu.dma_semaphore, #tpu.memory_space<semaphore_mem>>)
      %dma_wait3A_171 = tpu.memref_slice %arg2[%mul3A_2] : memref<4096xi32, #tpu.memory_space<hbm>> -> memref<128xi32, #tpu.memory_space<hbm>>
      %dma_wait3A_172 = tpu.memref_slice %arg2[%mul3A_2] : memref<4096xi32, #tpu.memory_space<hbm>> -> memref<128xi32, #tpu.memory_space<hbm>>
      tpu.wait_dma2 semaphore(%run_scoped3A : memref<!tpu.dma_semaphore, #tpu.memory_space<semaphore_mem>>) src(%dma_wait3A_172 : memref<128xi32, #tpu.memory_space<hbm>>) dst(%arg10 : memref<128xi32, #tpu.memory_space<vmem>>)
      tpu.yield
    }) : () -> ()
    %dma_start3A = arith.constant 0 : i32
    %dma_start3A_3 = arith.constant 0 : i32
    %dma_start3A_4 = tpu.memref_slice %arg3[%dma_start3A_3] : memref<1024xf32, #tpu.memory_space<hbm>> -> memref<1024xf32, #tpu.memory_space<hbm>>
    %dma_start3A_5 = tpu.memref_slice %arg14[%dma_start3A] : memref<2x!tpu.dma_semaphore, #tpu.memory_space<semaphore_mem>> -> memref<1x!tpu.dma_semaphore, #tpu.memory_space<semaphore_mem>>
    %dma_start3A_6 = tpu.memref_squeeze %dma_start3A_5 : memref<1x!tpu.dma_semaphore, #tpu.memory_space<semaphore_mem>> -> memref<!tpu.dma_semaphore, #tpu.memory_space<semaphore_mem>>
    tpu.enqueue_indirect_dma source(%dma_start3A_4 : memref<1024xf32, #tpu.memory_space<hbm>>) target(%arg8 : memref<128xf32, #tpu.memory_space<vmem>>) offsets(%arg10 : memref<128xi32, #tpu.memory_space<vmem>>) semaphore(%dma_start3A_6 : memref<!tpu.dma_semaphore, #tpu.memory_space<semaphore_mem>>)
    %dma_wait3A = arith.constant 0 : i32
    %dma_wait3A_7 = arith.constant 0 : i32
    %dma_wait3A_8 = tpu.memref_slice %arg3[%dma_wait3A_7] : memref<1024xf32, #tpu.memory_space<hbm>> -> memref<1024xf32, #tpu.memory_space<hbm>>
    %dma_wait3A_9 = tpu.memref_slice %arg14[%dma_wait3A] : memref<2x!tpu.dma_semaphore, #tpu.memory_space<semaphore_mem>> -> memref<1x!tpu.dma_semaphore, #tpu.memory_space<semaphore_mem>>
    %dma_wait3A_10 = tpu.memref_squeeze %dma_wait3A_9 : memref<1x!tpu.dma_semaphore, #tpu.memory_space<semaphore_mem>> -> memref<!tpu.dma_semaphore, #tpu.memory_space<semaphore_mem>>
    tpu.wait_indirect_dma semaphore(%dma_wait3A_10 : memref<!tpu.dma_semaphore, #tpu.memory_space<semaphore_mem>>) src(%dma_wait3A_8 : memref<1024xf32, #tpu.memory_space<hbm>>) dst(%arg8 : memref<128xf32, #tpu.memory_space<vmem>>)
    %dma_start3A_11 = arith.constant 0 : i32
    %dma_start3A_12 = arith.constant 0 : i32
    %dma_start3A_13 = tpu.memref_slice %arg4[%dma_start3A_12] : memref<1024xf32, #tpu.memory_space<hbm>> -> memref<1024xf32, #tpu.memory_space<hbm>>
    %dma_start3A_14 = tpu.memref_slice %arg14[%dma_start3A_11] : memref<2x!tpu.dma_semaphore, #tpu.memory_space<semaphore_mem>> -> memref<1x!tpu.dma_semaphore, #tpu.memory_space<semaphore_mem>>
    %dma_start3A_15 = tpu.memref_squeeze %dma_start3A_14 : memref<1x!tpu.dma_semaphore, #tpu.memory_space<semaphore_mem>> -> memref<!tpu.dma_semaphore, #tpu.memory_space<semaphore_mem>>
    tpu.enqueue_indirect_dma source(%dma_start3A_13 : memref<1024xf32, #tpu.memory_space<hbm>>) target(%arg9 : memref<128xf32, #tpu.memory_space<vmem>>) offsets(%arg10 : memref<128xi32, #tpu.memory_space<vmem>>) semaphore(%dma_start3A_15 : memref<!tpu.dma_semaphore, #tpu.memory_space<semaphore_mem>>)
    %dma_wait3A_16 = arith.constant 0 : i32
    %dma_wait3A_17 = arith.constant 0 : i32
    %dma_wait3A_18 = tpu.memref_slice %arg4[%dma_wait3A_17] : memref<1024xf32, #tpu.memory_space<hbm>> -> memref<1024xf32, #tpu.memory_space<hbm>>
    %dma_wait3A_19 = tpu.memref_slice %arg14[%dma_wait3A_16] : memref<2x!tpu.dma_semaphore, #tpu.memory_space<semaphore_mem>> -> memref<1x!tpu.dma_semaphore, #tpu.memory_space<semaphore_mem>>
    %dma_wait3A_20 = tpu.memref_squeeze %dma_wait3A_19 : memref<1x!tpu.dma_semaphore, #tpu.memory_space<semaphore_mem>> -> memref<!tpu.dma_semaphore, #tpu.memory_space<semaphore_mem>>
    tpu.wait_indirect_dma semaphore(%dma_wait3A_20 : memref<!tpu.dma_semaphore, #tpu.memory_space<semaphore_mem>>) src(%dma_wait3A_18 : memref<1024xf32, #tpu.memory_space<hbm>>) dst(%arg9 : memref<128xf32, #tpu.memory_space<vmem>>)
    %get3A = arith.constant 0 : index
    %get3A_21 = tpu.vector_load %arg8[%get3A] {strides = array<i32>} : memref<128xf32, #tpu.memory_space<vmem>>, vector<16xf32>,
    %get3A_22 = vector.shape_cast %get3A_21 : vector<16xf32> to vector<16xf32>
    %get3A_23 = arith.constant 16 : index
    %get3A_24 = tpu.vector_load %arg8[%get3A_23] {strides = array<i32>} : memref<128xf32, #tpu.memory_space<vmem>>, vector<16xf32>,
    %get3A_25 = vector.shape_cast %get3A_24 : vector<16xf32> to vector<16xf32>
    %get3A_26 = arith.constant 32 : index
    %get3A_27 = tpu.vector_load %arg8[%get3A_26] {strides = array<i32>} : memref<128xf32, #tpu.memory_space<vmem>>, vector<16xf32>,
    %get3A_28 = vector.shape_cast %get3A_27 : vector<16xf32> to vector<16xf32>
    %get3A_29 = arith.constant 48 : index
    %get3A_30 = tpu.vector_load %arg8[%get3A_29] {strides = array<i32>} : memref<128xf32, #tpu.memory_space<vmem>>, vector<16xf32>,
    %get3A_31 = vector.shape_cast %get3A_30 : vector<16xf32> to vector<16xf32>
    %get3A_32 = arith.constant 64 : index
    %get3A_33 = tpu.vector_load %arg8[%get3A_32] {strides = array<i32>} : memref<128xf32, #tpu.memory_space<vmem>>, vector<16xf32>,
    %get3A_34 = vector.shape_cast %get3A_33 : vector<16xf32> to vector<16xf32>
    %get3A_35 = arith.constant 80 : index
    %get3A_36 = tpu.vector_load %arg8[%get3A_35] {strides = array<i32>} : memref<128xf32, #tpu.memory_space<vmem>>, vector<16xf32>,
    %get3A_37 = vector.shape_cast %get3A_36 : vector<16xf32> to vector<16xf32>
    %get3A_38 = arith.constant 96 : index
    %get3A_39 = tpu.vector_load %arg8[%get3A_38] {strides = array<i32>} : memref<128xf32, #tpu.memory_space<vmem>>, vector<16xf32>,
    %get3A_40 = vector.shape_cast %get3A_39 : vector<16xf32> to vector<16xf32>
    %get3A_41 = arith.constant 112 : index
    %get3A_42 = tpu.vector_load %arg8[%get3A_41] {strides = array<i32>} : memref<128xf32, #tpu.memory_space<vmem>>, vector<16xf32>,
    %get3A_43 = vector.shape_cast %get3A_42 : vector<16xf32> to vector<16xf32>
    %get3A_44 = arith.constant 0 : index
    %get3A_45 = tpu.vector_load %arg9[%get3A_44] {strides = array<i32>} : memref<128xf32, #tpu.memory_space<vmem>>, vector<16xf32>,
    %get3A_46 = vector.shape_cast %get3A_45 : vector<16xf32> to vector<16xf32>
    %get3A_47 = arith.constant 16 : index
    %get3A_48 = tpu.vector_load %arg9[%get3A_47] {strides = array<i32>} : memref<128xf32, #tpu.memory_space<vmem>>, vector<16xf32>,
    %get3A_49 = vector.shape_cast %get3A_48 : vector<16xf32> to vector<16xf32>
    %get3A_50 = arith.constant 32 : index
    %get3A_51 = tpu.vector_load %arg9[%get3A_50] {strides = array<i32>} : memref<128xf32, #tpu.memory_space<vmem>>, vector<16xf32>,
    %get3A_52 = vector.shape_cast %get3A_51 : vector<16xf32> to vector<16xf32>
    %get3A_53 = arith.constant 48 : index
    %get3A_54 = tpu.vector_load %arg9[%get3A_53] {strides = array<i32>} : memref<128xf32, #tpu.memory_space<vmem>>, vector<16xf32>,
    %get3A_55 = vector.shape_cast %get3A_54 : vector<16xf32> to vector<16xf32>
    %get3A_56 = arith.constant 64 : index
    %get3A_57 = tpu.vector_load %arg9[%get3A_56] {strides = array<i32>} : memref<128xf32, #tpu.memory_space<vmem>>, vector<16xf32>,
    %get3A_58 = vector.shape_cast %get3A_57 : vector<16xf32> to vector<16xf32>
    %get3A_59 = arith.constant 80 : index
    %get3A_60 = tpu.vector_load %arg9[%get3A_59] {strides = array<i32>} : memref<128xf32, #tpu.memory_space<vmem>>, vector<16xf32>,
    %get3A_61 = vector.shape_cast %get3A_60 : vector<16xf32> to vector<16xf32>
    %get3A_62 = arith.constant 96 : index
    %get3A_63 = tpu.vector_load %arg9[%get3A_62] {strides = array<i32>} : memref<128xf32, #tpu.memory_space<vmem>>, vector<16xf32>,
    %get3A_64 = vector.shape_cast %get3A_63 : vector<16xf32> to vector<16xf32>
    %get3A_65 = arith.constant 112 : index
    %get3A_66 = tpu.vector_load %arg9[%get3A_65] {strides = array<i32>} : memref<128xf32, #tpu.memory_space<vmem>>, vector<16xf32>,
    %get3A_67 = vector.shape_cast %get3A_66 : vector<16xf32> to vector<16xf32>
    %dma_start3A_68 = arith.constant 0 : i32
    %dma_start3A_69 = arith.constant 0 : i32
    %dma_start3A_70 = arith.constant 0 : i32
    %dma_start3A_71 = arith.constant 0 : i32
    %dma_start3A_72 = tpu.memref_slice %arg11[%dma_start3A_68, %dma_start3A_70, %dma_start3A_71] : memref<2x128x128xf32, #tpu.memory_space<vmem>> -> memref<1x128x128xf32, #tpu.memory_space<vmem>>
    %dma_start3A_73 = tpu.memref_squeeze %dma_start3A_72 : memref<1x128x128xf32, #tpu.memory_space<vmem>> -> memref<128x128xf32, #tpu.memory_space<vmem>>
    %dma_start3A_74 = arith.constant 0 : i32
    %dma_start3A_75 = tpu.memref_slice %arg5[%dma_start3A_74, %mul3A_2] : memref<16384x4096xf32, #tpu.memory_space<hbm>> -> memref<128x128xf32, #tpu.memory_space<hbm>>
    %dma_start3A_76 = tpu.memref_slice %arg14[%dma_start3A_69] : memref<2x!tpu.dma_semaphore, #tpu.memory_space<semaphore_mem>> -> memref<1x!tpu.dma_semaphore, #tpu.memory_space<semaphore_mem>>
    %dma_start3A_77 = tpu.memref_squeeze %dma_start3A_76 : memref<1x!tpu.dma_semaphore, #tpu.memory_space<semaphore_mem>> -> memref<!tpu.dma_semaphore, #tpu.memory_space<semaphore_mem>>
    %dma_start3A_78 = arith.constant 0 : i32
    %dma_start3A_79 = arith.constant 0 : i32
    %dma_start3A_80 = tpu.memref_slice %arg11[%dma_start3A_68, %dma_start3A_78, %dma_start3A_79] : memref<2x128x128xf32, #tpu.memory_space<vmem>> -> memref<1x128x128xf32, #tpu.memory_space<vmem>>
    %dma_start3A_81 = tpu.memref_squeeze %dma_start3A_80 : memref<1x128x128xf32, #tpu.memory_space<vmem>> -> memref<128x128xf32, #tpu.memory_space<vmem>>
    %dma_start3A_82 = arith.constant 0 : i32
    %dma_start3A_83 = tpu.memref_slice %arg5[%dma_start3A_82, %mul3A_2] : memref<16384x4096xf32, #tpu.memory_space<hbm>> -> memref<128x128xf32, #tpu.memory_space<hbm>>
    tpu.enqueue_dma source(%dma_start3A_83 : memref<128x128xf32, #tpu.memory_space<hbm>>) target(%dma_start3A_81 : memref<128x128xf32, #tpu.memory_space<vmem>>) target_semaphore(%dma_start3A_77 : memref<!tpu.dma_semaphore, #tpu.memory_space<semaphore_mem>>)
    %dma_start3A_84 = arith.constant 0 : i32
    %dma_start3A_85 = arith.constant 0 : i32
    %dma_start3A_86 = arith.constant 0 : i32
    %dma_start3A_87 = arith.constant 0 : i32
    %dma_start3A_88 = tpu.memref_slice %arg12[%dma_start3A_84, %dma_start3A_86, %dma_start3A_87] : memref<2x128x128xf32, #tpu.memory_space<vmem>> -> memref<1x128x128xf32, #tpu.memory_space<vmem>>
    %dma_start3A_89 = tpu.memref_squeeze %dma_start3A_88 : memref<1x128x128xf32, #tpu.memory_space<vmem>> -> memref<128x128xf32, #tpu.memory_space<vmem>>
    %dma_start3A_90 = arith.constant 0 : i32
    %dma_start3A_91 = tpu.memref_slice %arg6[%dma_start3A_90, %mul3A_2] : memref<16384x4096xf32, #tpu.memory_space<hbm>> -> memref<128x128xf32, #tpu.memory_space<hbm>>
    %dma_start3A_92 = tpu.memref_slice %arg14[%dma_start3A_85] : memref<2x!tpu.dma_semaphore, #tpu.memory_space<semaphore_mem>> -> memref<1x!tpu.dma_semaphore, #tpu.memory_space<semaphore_mem>>
    %dma_start3A_93 = tpu.memref_squeeze %dma_start3A_92 : memref<1x!tpu.dma_semaphore, #tpu.memory_space<semaphore_mem>> -> memref<!tpu.dma_semaphore, #tpu.memory_space<semaphore_mem>>
    %dma_start3A_94 = arith.constant 0 : i32
    %dma_start3A_95 = arith.constant 0 : i32
    %dma_start3A_96 = tpu.memref_slice %arg12[%dma_start3A_84, %dma_start3A_94, %dma_start3A_95] : memref<2x128x128xf32, #tpu.memory_space<vmem>> -> memref<1x128x128xf32, #tpu.memory_space<vmem>>
    %dma_start3A_97 = tpu.memref_squeeze %dma_start3A_96 : memref<1x128x128xf32, #tpu.memory_space<vmem>> -> memref<128x128xf32, #tpu.memory_space<vmem>>
    %dma_start3A_98 = arith.constant 0 : i32
    %dma_start3A_99 = tpu.memref_slice %arg6[%dma_start3A_98, %mul3A_2] : memref<16384x4096xf32, #tpu.memory_space<hbm>> -> memref<128x128xf32, #tpu.memory_space<hbm>>
    tpu.enqueue_dma source(%dma_start3A_99 : memref<128x128xf32, #tpu.memory_space<hbm>>) target(%dma_start3A_97 : memref<128x128xf32, #tpu.memory_space<vmem>>) target_semaphore(%dma_start3A_93 : memref<!tpu.dma_semaphore, #tpu.memory_space<semaphore_mem>>)
    %dma_start3A_100 = arith.constant 1 : i32
    %dma_start3A_101 = arith.constant 1 : i32
    %dma_start3A_102 = arith.constant 0 : i32
    %dma_start3A_103 = arith.constant 0 : i32
    %dma_start3A_104 = tpu.memref_slice %arg11[%dma_start3A_100, %dma_start3A_102, %dma_start3A_103] : memref<2x128x128xf32, #tpu.memory_space<vmem>> -> memref<1x128x128xf32, #tpu.memory_space<vmem>>
    %dma_start3A_105 = tpu.memref_squeeze %dma_start3A_104 : memref<1x128x128xf32, #tpu.memory_space<vmem>> -> memref<128x128xf32, #tpu.memory_space<vmem>>
    %dma_start3A_106 = arith.constant 128 : i32
    %dma_start3A_107 = tpu.memref_slice %arg5[%dma_start3A_106, %mul3A_2] : memref<16384x4096xf32, #tpu.memory_space<hbm>> -> memref<128x128xf32, #tpu.memory_space<hbm>>
    %dma_start3A_108 = tpu.memref_slice %arg14[%dma_start3A_101] : memref<2x!tpu.dma_semaphore, #tpu.memory_space<semaphore_mem>> -> memref<1x!tpu.dma_semaphore, #tpu.memory_space<semaphore_mem>>
    %dma_start3A_109 = tpu.memref_squeeze %dma_start3A_108 : memref<1x!tpu.dma_semaphore, #tpu.memory_space<semaphore_mem>> -> memref<!tpu.dma_semaphore, #tpu.memory_space<semaphore_mem>>
    %dma_start3A_110 = arith.constant 0 : i32
    %dma_start3A_111 = arith.constant 0 : i32
    %dma_start3A_112 = tpu.memref_slice %arg11[%dma_start3A_100, %dma_start3A_110, %dma_start3A_111] : memref<2x128x128xf32, #tpu.memory_space<vmem>> -> memref<1x128x128xf32, #tpu.memory_space<vmem>>
    %dma_start3A_113 = tpu.memref_squeeze %dma_start3A_112 : memref<1x128x128xf32, #tpu.memory_space<vmem>> -> memref<128x128xf32, #tpu.memory_space<vmem>>
    %dma_start3A_114 = arith.constant 128 : i32
    %dma_start3A_115 = tpu.memref_slice %arg5[%dma_start3A_114, %mul3A_2] : memref<16384x4096xf32, #tpu.memory_space<hbm>> -> memref<128x128xf32, #tpu.memory_space<hbm>>
    tpu.enqueue_dma source(%dma_start3A_115 : memref<128x128xf32, #tpu.memory_space<hbm>>) target(%dma_start3A_113 : memref<128x128xf32, #tpu.memory_space<vmem>>) target_semaphore(%dma_start3A_109 : memref<!tpu.dma_semaphore, #tpu.memory_space<semaphore_mem>>)
    %dma_start3A_116 = arith.constant 1 : i32
    %dma_start3A_117 = arith.constant 1 : i32
    %dma_start3A_118 = arith.constant 0 : i32
    %dma_start3A_119 = arith.constant 0 : i32
    %dma_start3A_120 = tpu.memref_slice %arg12[%dma_start3A_116, %dma_start3A_118, %dma_start3A_119] : memref<2x128x128xf32, #tpu.memory_space<vmem>> -> memref<1x128x128xf32, #tpu.memory_space<vmem>>
    %dma_start3A_121 = tpu.memref_squeeze %dma_start3A_120 : memref<1x128x128xf32, #tpu.memory_space<vmem>> -> memref<128x128xf32, #tpu.memory_space<vmem>>
    %dma_start3A_122 = arith.constant 128 : i32
    %dma_start3A_123 = tpu.memref_slice %arg6[%dma_start3A_122, %mul3A_2] : memref<16384x4096xf32, #tpu.memory_space<hbm>> -> memref<128x128xf32, #tpu.memory_space<hbm>>
    %dma_start3A_124 = tpu.memref_slice %arg14[%dma_start3A_117] : memref<2x!tpu.dma_semaphore, #tpu.memory_space<semaphore_mem>> -> memref<1x!tpu.dma_semaphore, #tpu.memory_space<semaphore_mem>>
    %dma_start3A_125 = tpu.memref_squeeze %dma_start3A_124 : memref<1x!tpu.dma_semaphore, #tpu.memory_space<semaphore_mem>> -> memref<!tpu.dma_semaphore, #tpu.memory_space<semaphore_mem>>
    %dma_start3A_126 = arith.constant 0 : i32
    %dma_start3A_127 = arith.constant 0 : i32
    %dma_start3A_128 = tpu.memref_slice %arg12[%dma_start3A_116, %dma_start3A_126, %dma_start3A_127] : memref<2x128x128xf32, #tpu.memory_space<vmem>> -> memref<1x128x128xf32, #tpu.memory_space<vmem>>
    %dma_start3A_129 = tpu.memref_squeeze %dma_start3A_128 : memref<1x128x128xf32, #tpu.memory_space<vmem>> -> memref<128x128xf32, #tpu.memory_space<vmem>>
    %dma_start3A_130 = arith.constant 128 : i32
    %dma_start3A_131 = tpu.memref_slice %arg6[%dma_start3A_130, %mul3A_2] : memref<16384x4096xf32, #tpu.memory_space<hbm>> -> memref<128x128xf32, #tpu.memory_space<hbm>>
    tpu.enqueue_dma source(%dma_start3A_131 : memref<128x128xf32, #tpu.memory_space<hbm>>) target(%dma_start3A_129 : memref<128x128xf32, #tpu.memory_space<vmem>>) target_semaphore(%dma_start3A_125 : memref<!tpu.dma_semaphore, #tpu.memory_space<semaphore_mem>>)
    %scan3A = arith.constant 0 : i32
    %scan3A_132 = arith.constant 0 : i32
    %scan3A_133 = arith.constant 64 : i32
    %scan3A_134 = arith.addi %scan3A_132, %scan3A_133 : i32
    %scan3A_135 = arith.constant 1 : i32
    scf.for %scan3A_169 = %scan3A_132 to %scan3A_134 step %scan3A_135  : i32 {
      %mul3A_170 = arith.constant 2 : i32
      %mul3A_171 = arith.muli %scan3A_169, %mul3A_170 : i32
      %dma_wait3A_172 = arith.constant 0 : i32
      %dma_wait3A_173 = arith.constant 0 : i32
      %dma_wait3A_174 = arith.constant 0 : i32
      %dma_wait3A_175 = arith.constant 0 : i32
      %dma_wait3A_176 = tpu.memref_slice %arg11[%dma_wait3A_172, %dma_wait3A_174, %dma_wait3A_175] : memref<2x128x128xf32, #tpu.memory_space<vmem>> -> memref<1x128x128xf32, #tpu.memory_space<vmem>>
      %dma_wait3A_177 = tpu.memref_squeeze %dma_wait3A_176 : memref<1x128x128xf32, #tpu.memory_space<vmem>> -> memref<128x128xf32, #tpu.memory_space<vmem>>
      %dma_wait3A_178 = arith.constant 0 : i32
      %dma_wait3A_179 = tpu.memref_slice %arg5[%dma_wait3A_178, %mul3A_2] : memref<16384x4096xf32, #tpu.memory_space<hbm>> -> memref<128x128xf32, #tpu.memory_space<hbm>>
      %dma_wait3A_180 = tpu.memref_slice %arg14[%dma_wait3A_173] : memref<2x!tpu.dma_semaphore, #tpu.memory_space<semaphore_mem>> -> memref<1x!tpu.dma_semaphore, #tpu.memory_space<semaphore_mem>>
      %dma_wait3A_181 = tpu.memref_squeeze %dma_wait3A_180 : memref<1x!tpu.dma_semaphore, #tpu.memory_space<semaphore_mem>> -> memref<!tpu.dma_semaphore, #tpu.memory_space<semaphore_mem>>
      %dma_wait3A_182 = arith.constant 0 : i32
      %dma_wait3A_183 = arith.constant 0 : i32
      %dma_wait3A_184 = tpu.memref_slice %arg11[%dma_wait3A_172, %dma_wait3A_182, %dma_wait3A_183] : memref<2x128x128xf32, #tpu.memory_space<vmem>> -> memref<1x128x128xf32, #tpu.memory_space<vmem>>
      %dma_wait3A_185 = tpu.memref_squeeze %dma_wait3A_184 : memref<1x128x128xf32, #tpu.memory_space<vmem>> -> memref<128x128xf32, #tpu.memory_space<vmem>>
      %dma_wait3A_186 = arith.constant 0 : i32
      %dma_wait3A_187 = tpu.memref_slice %arg5[%dma_wait3A_186, %mul3A_2] : memref<16384x4096xf32, #tpu.memory_space<hbm>> -> memref<128x128xf32, #tpu.memory_space<hbm>>
      tpu.wait_dma2 semaphore(%dma_wait3A_181 : memref<!tpu.dma_semaphore, #tpu.memory_space<semaphore_mem>>) src(%dma_wait3A_187 : memref<128x128xf32, #tpu.memory_space<hbm>>) dst(%dma_wait3A_185 : memref<128x128xf32, #tpu.memory_space<vmem>>)
      %dma_wait3A_188 = arith.constant 0 : i32
      %dma_wait3A_189 = arith.constant 0 : i32
      %dma_wait3A_190 = arith.constant 0 : i32
      %dma_wait3A_191 = arith.constant 0 : i32
      %dma_wait3A_192 = tpu.memref_slice %arg12[%dma_wait3A_188, %dma_wait3A_190, %dma_wait3A_191] : memref<2x128x128xf32, #tpu.memory_space<vmem>> -> memref<1x128x128xf32, #tpu.memory_space<vmem>>
      %dma_wait3A_193 = tpu.memref_squeeze %dma_wait3A_192 : memref<1x128x128xf32, #tpu.memory_space<vmem>> -> memref<128x128xf32, #tpu.memory_space<vmem>>
      %dma_wait3A_194 = arith.constant 0 : i32
      %dma_wait3A_195 = tpu.memref_slice %arg6[%dma_wait3A_194, %mul3A_2] : memref<16384x4096xf32, #tpu.memory_space<hbm>> -> memref<128x128xf32, #tpu.memory_space<hbm>>
      %dma_wait3A_196 = tpu.memref_slice %arg14[%dma_wait3A_189] : memref<2x!tpu.dma_semaphore, #tpu.memory_space<semaphore_mem>> -> memref<1x!tpu.dma_semaphore, #tpu.memory_space<semaphore_mem>>
      %dma_wait3A_197 = tpu.memref_squeeze %dma_wait3A_196 : memref<1x!tpu.dma_semaphore, #tpu.memory_space<semaphore_mem>> -> memref<!tpu.dma_semaphore, #tpu.memory_space<semaphore_mem>>
      %dma_wait3A_198 = arith.constant 0 : i32
      %dma_wait3A_199 = arith.constant 0 : i32
      %dma_wait3A_200 = tpu.memref_slice %arg12[%dma_wait3A_188, %dma_wait3A_198, %dma_wait3A_199] : memref<2x128x128xf32, #tpu.memory_space<vmem>> -> memref<1x128x128xf32, #tpu.memory_space<vmem>>
      %dma_wait3A_201 = tpu.memref_squeeze %dma_wait3A_200 : memref<1x128x128xf32, #tpu.memory_space<vmem>> -> memref<128x128xf32, #tpu.memory_space<vmem>>
      %dma_wait3A_202 = arith.constant 0 : i32
      %dma_wait3A_203 = tpu.memref_slice %arg6[%dma_wait3A_202, %mul3A_2] : memref<16384x4096xf32, #tpu.memory_space<hbm>> -> memref<128x128xf32, #tpu.memory_space<hbm>>
      tpu.wait_dma2 semaphore(%dma_wait3A_197 : memref<!tpu.dma_semaphore, #tpu.memory_space<semaphore_mem>>) src(%dma_wait3A_203 : memref<128x128xf32, #tpu.memory_space<hbm>>) dst(%dma_wait3A_201 : memref<128x128xf32, #tpu.memory_space<vmem>>)
      %scan3A_204 = arith.constant 0 : i32
      %scan3A_205 = arith.constant 0 : i32
      %scan3A_206 = arith.constant 0 : i32
      %scan3A_207 = arith.constant 0 : i32
      %scan3A_208 = arith.constant 0 : i32
      %scan3A_209 = arith.constant 128 : i32
      %scan3A_210 = arith.addi %scan3A_208, %scan3A_209 : i32
      %scan3A_211 = arith.constant 1 : i32
      scf.for %scan3A_310 = %scan3A_208 to %scan3A_210 step %scan3A_211  : i32 {
        %get3A_311 = arith.constant 0 : i32
        %get3A_312 = arith.constant 0 : i32
        %get3A_313 = tpu.memref_slice %arg11[%scan3A_205, %get3A_311, %get3A_312] : memref<2x128x128xf32, #tpu.memory_space<vmem>> -> memref<1x128x128xf32, #tpu.memory_space<vmem>>
        %get3A_314 = tpu.memref_squeeze %get3A_313 : memref<1x128x128xf32, #tpu.memory_space<vmem>> -> memref<128x128xf32, #tpu.memory_space<vmem>>
        %get3A_315 = arith.index_cast %scan3A_310 : i32 to index
        %get3A_316 = arith.constant 0 : index
        %get3A_317 = tpu.vector_load %get3A_314[%get3A_315, %get3A_316] {strides = array<i32>} : memref<128x128xf32, #tpu.memory_space<vmem>>, vector<1x16xf32>,
        %get3A_318 = vector.shape_cast %get3A_317 : vector<1x16xf32> to vector<16xf32>
        %mul3A_319 = arith.mulf %get3A_22, %get3A_318 : vector<16xf32>
        %get3A_320 = arith.constant 0 : i32
        %get3A_321 = arith.constant 0 : i32
        %get3A_322 = tpu.memref_slice %arg12[%scan3A_206, %get3A_320, %get3A_321] : memref<2x128x128xf32, #tpu.memory_space<vmem>> -> memref<1x128x128xf32, #tpu.memory_space<vmem>>
        %get3A_323 = tpu.memref_squeeze %get3A_322 : memref<1x128x128xf32, #tpu.memory_space<vmem>> -> memref<128x128xf32, #tpu.memory_space<vmem>>
        %get3A_324 = arith.index_cast %scan3A_310 : i32 to index
        %get3A_325 = arith.constant 0 : index
        %get3A_326 = tpu.vector_load %get3A_323[%get3A_324, %get3A_325] {strides = array<i32>} : memref<128x128xf32, #tpu.memory_space<vmem>>, vector<1x16xf32>,
        %get3A_327 = vector.shape_cast %get3A_326 : vector<1x16xf32> to vector<16xf32>
        %mul3A_328 = arith.mulf %get3A_46, %get3A_327 : vector<16xf32>
        %add3A_329 = arith.addf %mul3A_319, %mul3A_328 : vector<16xf32>
        %swap3A = arith.constant 0 : i32
        %swap3A_330 = arith.constant 0 : i32
        %swap3A_331 = tpu.memref_slice %arg13[%scan3A_207, %swap3A, %swap3A_330] : memref<2x128x128xf32, #tpu.memory_space<vmem>> -> memref<1x128x128xf32, #tpu.memory_space<vmem>>
        %swap3A_332 = tpu.memref_squeeze %swap3A_331 : memref<1x128x128xf32, #tpu.memory_space<vmem>> -> memref<128x128xf32, #tpu.memory_space<vmem>>
        %swap3A_333 = arith.index_cast %scan3A_310 : i32 to index
        %swap3A_334 = arith.constant 0 : index
        %swap3A_335 = tpu.vector_load %swap3A_332[%swap3A_333, %swap3A_334] {strides = array<i32>} : memref<128x128xf32, #tpu.memory_space<vmem>>, vector<1x16xf32>,
        %swap3A_336 = vector.shape_cast %swap3A_335 : vector<1x16xf32> to vector<16xf32>
        %swap3A_337 = vector.shape_cast %add3A_329 : vector<16xf32> to vector<1x16xf32>
        tpu.vector_store %swap3A_332[%swap3A_333, %swap3A_334], %swap3A_337 {strides = array<i32>} : memref<128x128xf32, #tpu.memory_space<vmem>>, vector<1x16xf32>,
        %get3A_338 = arith.constant 0 : i32
        %get3A_339 = arith.constant 0 : i32
        %get3A_340 = tpu.memref_slice %arg11[%scan3A_205, %get3A_338, %get3A_339] : memref<2x128x128xf32, #tpu.memory_space<vmem>> -> memref<1x128x128xf32, #tpu.memory_space<vmem>>
        %get3A_341 = tpu.memref_squeeze %get3A_340 : memref<1x128x128xf32, #tpu.memory_space<vmem>> -> memref<128x128xf32, #tpu.memory_space<vmem>>
        %get3A_342 = arith.index_cast %scan3A_310 : i32 to index
        %get3A_343 = arith.constant 16 : index
        %get3A_344 = tpu.vector_load %get3A_341[%get3A_342, %get3A_343] {strides = array<i32>} : memref<128x128xf32, #tpu.memory_space<vmem>>, vector<1x16xf32>,
        %get3A_345 = vector.shape_cast %get3A_344 : vector<1x16xf32> to vector<16xf32>
        %mul3A_346 = arith.mulf %get3A_25, %get3A_345 : vector<16xf32>
        %get3A_347 = arith.constant 0 : i32
        %get3A_348 = arith.constant 0 : i32
        %get3A_349 = tpu.memref_slice %arg12[%scan3A_206, %get3A_347, %get3A_348] : memref<2x128x128xf32, #tpu.memory_space<vmem>> -> memref<1x128x128xf32, #tpu.memory_space<vmem>>
        %get3A_350 = tpu.memref_squeeze %get3A_349 : memref<1x128x128xf32, #tpu.memory_space<vmem>> -> memref<128x128xf32, #tpu.memory_space<vmem>>
        %get3A_351 = arith.index_cast %scan3A_310 : i32 to index
        %get3A_352 = arith.constant 16 : index
        %get3A_353 = tpu.vector_load %get3A_350[%get3A_351, %get3A_352] {strides = array<i32>} : memref<128x128xf32, #tpu.memory_space<vmem>>, vector<1x16xf32>,
        %get3A_354 = vector.shape_cast %get3A_353 : vector<1x16xf32> to vector<16xf32>
        %mul3A_355 = arith.mulf %get3A_49, %get3A_354 : vector<16xf32>
        %add3A_356 = arith.addf %mul3A_346, %mul3A_355 : vector<16xf32>
        %swap3A_357 = arith.constant 0 : i32
        %swap3A_358 = arith.constant 0 : i32
        %swap3A_359 = tpu.memref_slice %arg13[%scan3A_207, %swap3A_357, %swap3A_358] : memref<2x128x128xf32, #tpu.memory_space<vmem>> -> memref<1x128x128xf32, #tpu.memory_space<vmem>>
        %swap3A_360 = tpu.memref_squeeze %swap3A_359 : memref<1x128x128xf32, #tpu.memory_space<vmem>> -> memref<128x128xf32, #tpu.memory_space<vmem>>
        %swap3A_361 = arith.index_cast %scan3A_310 : i32 to index
        %swap3A_362 = arith.constant 16 : index
        %swap3A_363 = tpu.vector_load %swap3A_360[%swap3A_361, %swap3A_362] {strides = array<i32>} : memref<128x128xf32, #tpu.memory_space<vmem>>, vector<1x16xf32>,
        %swap3A_364 = vector.shape_cast %swap3A_363 : vector<1x16xf32> to vector<16xf32>
        %swap3A_365 = vector.shape_cast %add3A_356 : vector<16xf32> to vector<1x16xf32>
        tpu.vector_store %swap3A_360[%swap3A_361, %swap3A_362], %swap3A_365 {strides = array<i32>} : memref<128x128xf32, #tpu.memory_space<vmem>>, vector<1x16xf32>,
        %get3A_366 = arith.constant 0 : i32
        %get3A_367 = arith.constant 0 : i32
        %get3A_368 = tpu.memref_slice %arg11[%scan3A_205, %get3A_366, %get3A_367] : memref<2x128x128xf32, #tpu.memory_space<vmem>> -> memref<1x128x128xf32, #tpu.memory_space<vmem>>
        %get3A_369 = tpu.memref_squeeze %get3A_368 : memref<1x128x128xf32, #tpu.memory_space<vmem>> -> memref<128x128xf32, #tpu.memory_space<vmem>>
        %get3A_370 = arith.index_cast %scan3A_310 : i32 to index
        %get3A_371 = arith.constant 32 : index
        %get3A_372 = tpu.vector_load %get3A_369[%get3A_370, %get3A_371] {strides = array<i32>} : memref<128x128xf32, #tpu.memory_space<vmem>>, vector<1x16xf32>,
        %get3A_373 = vector.shape_cast %get3A_372 : vector<1x16xf32> to vector<16xf32>
        %mul3A_374 = arith.mulf %get3A_28, %get3A_373 : vector<16xf32>
        %get3A_375 = arith.constant 0 : i32
        %get3A_376 = arith.constant 0 : i32
        %get3A_377 = tpu.memref_slice %arg12[%scan3A_206, %get3A_375, %get3A_376] : memref<2x128x128xf32, #tpu.memory_space<vmem>> -> memref<1x128x128xf32, #tpu.memory_space<vmem>>
        %get3A_378 = tpu.memref_squeeze %get3A_377 : memref<1x128x128xf32, #tpu.memory_space<vmem>> -> memref<128x128xf32, #tpu.memory_space<vmem>>
        %get3A_379 = arith.index_cast %scan3A_310 : i32 to index
        %get3A_380 = arith.constant 32 : index
        %get3A_381 = tpu.vector_load %get3A_378[%get3A_379, %get3A_380] {strides = array<i32>} : memref<128x128xf32, #tpu.memory_space<vmem>>, vector<1x16xf32>,
        %get3A_382 = vector.shape_cast %get3A_381 : vector<1x16xf32> to vector<16xf32>
        %mul3A_383 = arith.mulf %get3A_52, %get3A_382 : vector<16xf32>
        %add3A_384 = arith.addf %mul3A_374, %mul3A_383 : vector<16xf32>
        %swap3A_385 = arith.constant 0 : i32
        %swap3A_386 = arith.constant 0 : i32
        %swap3A_387 = tpu.memref_slice %arg13[%scan3A_207, %swap3A_385, %swap3A_386] : memref<2x128x128xf32, #tpu.memory_space<vmem>> -> memref<1x128x128xf32, #tpu.memory_space<vmem>>
        %swap3A_388 = tpu.memref_squeeze %swap3A_387 : memref<1x128x128xf32, #tpu.memory_space<vmem>> -> memref<128x128xf32, #tpu.memory_space<vmem>>
        %swap3A_389 = arith.index_cast %scan3A_310 : i32 to index
        %swap3A_390 = arith.constant 32 : index
        %swap3A_391 = tpu.vector_load %swap3A_388[%swap3A_389, %swap3A_390] {strides = array<i32>} : memref<128x128xf32, #tpu.memory_space<vmem>>, vector<1x16xf32>,
        %swap3A_392 = vector.shape_cast %swap3A_391 : vector<1x16xf32> to vector<16xf32>
        %swap3A_393 = vector.shape_cast %add3A_384 : vector<16xf32> to vector<1x16xf32>
        tpu.vector_store %swap3A_388[%swap3A_389, %swap3A_390], %swap3A_393 {strides = array<i32>} : memref<128x128xf32, #tpu.memory_space<vmem>>, vector<1x16xf32>,
        %get3A_394 = arith.constant 0 : i32
        %get3A_395 = arith.constant 0 : i32
        %get3A_396 = tpu.memref_slice %arg11[%scan3A_205, %get3A_394, %get3A_395] : memref<2x128x128xf32, #tpu.memory_space<vmem>> -> memref<1x128x128xf32, #tpu.memory_space<vmem>>
        %get3A_397 = tpu.memref_squeeze %get3A_396 : memref<1x128x128xf32, #tpu.memory_space<vmem>> -> memref<128x128xf32, #tpu.memory_space<vmem>>
        %get3A_398 = arith.index_cast %scan3A_310 : i32 to index
        %get3A_399 = arith.constant 48 : index
        %get3A_400 = tpu.vector_load %get3A_397[%get3A_398, %get3A_399] {strides = array<i32>} : memref<128x128xf32, #tpu.memory_space<vmem>>, vector<1x16xf32>,
        %get3A_401 = vector.shape_cast %get3A_400 : vector<1x16xf32> to vector<16xf32>
        %mul3A_402 = arith.mulf %get3A_31, %get3A_401 : vector<16xf32>
        %get3A_403 = arith.constant 0 : i32
        %get3A_404 = arith.constant 0 : i32
        %get3A_405 = tpu.memref_slice %arg12[%scan3A_206, %get3A_403, %get3A_404] : memref<2x128x128xf32, #tpu.memory_space<vmem>> -> memref<1x128x128xf32, #tpu.memory_space<vmem>>
        %get3A_406 = tpu.memref_squeeze %get3A_405 : memref<1x128x128xf32, #tpu.memory_space<vmem>> -> memref<128x128xf32, #tpu.memory_space<vmem>>
        %get3A_407 = arith.index_cast %scan3A_310 : i32 to index
        %get3A_408 = arith.constant 48 : index
        %get3A_409 = tpu.vector_load %get3A_406[%get3A_407, %get3A_408] {strides = array<i32>} : memref<128x128xf32, #tpu.memory_space<vmem>>, vector<1x16xf32>,
        %get3A_410 = vector.shape_cast %get3A_409 : vector<1x16xf32> to vector<16xf32>
        %mul3A_411 = arith.mulf %get3A_55, %get3A_410 : vector<16xf32>
        %add3A_412 = arith.addf %mul3A_402, %mul3A_411 : vector<16xf32>
        %swap3A_413 = arith.constant 0 : i32
        %swap3A_414 = arith.constant 0 : i32
        %swap3A_415 = tpu.memref_slice %arg13[%scan3A_207, %swap3A_413, %swap3A_414] : memref<2x128x128xf32, #tpu.memory_space<vmem>> -> memref<1x128x128xf32, #tpu.memory_space<vmem>>
        %swap3A_416 = tpu.memref_squeeze %swap3A_415 : memref<1x128x128xf32, #tpu.memory_space<vmem>> -> memref<128x128xf32, #tpu.memory_space<vmem>>
        %swap3A_417 = arith.index_cast %scan3A_310 : i32 to index
        %swap3A_418 = arith.constant 48 : index
        %swap3A_419 = tpu.vector_load %swap3A_416[%swap3A_417, %swap3A_418] {strides = array<i32>} : memref<128x128xf32, #tpu.memory_space<vmem>>, vector<1x16xf32>,
        %swap3A_420 = vector.shape_cast %swap3A_419 : vector<1x16xf32> to vector<16xf32>
        %swap3A_421 = vector.shape_cast %add3A_412 : vector<16xf32> to vector<1x16xf32>
        tpu.vector_store %swap3A_416[%swap3A_417, %swap3A_418], %swap3A_421 {strides = array<i32>} : memref<128x128xf32, #tpu.memory_space<vmem>>, vector<1x16xf32>,
        %get3A_422 = arith.constant 0 : i32
        %get3A_423 = arith.constant 0 : i32
        %get3A_424 = tpu.memref_slice %arg11[%scan3A_205, %get3A_422, %get3A_423] : memref<2x128x128xf32, #tpu.memory_space<vmem>> -> memref<1x128x128xf32, #tpu.memory_space<vmem>>
        %get3A_425 = tpu.memref_squeeze %get3A_424 : memref<1x128x128xf32, #tpu.memory_space<vmem>> -> memref<128x128xf32, #tpu.memory_space<vmem>>
        %get3A_426 = arith.index_cast %scan3A_310 : i32 to index
        %get3A_427 = arith.constant 64 : index
        %get3A_428 = tpu.vector_load %get3A_425[%get3A_426, %get3A_427] {strides = array<i32>} : memref<128x128xf32, #tpu.memory_space<vmem>>, vector<1x16xf32>,
        %get3A_429 = vector.shape_cast %get3A_428 : vector<1x16xf32> to vector<16xf32>
        %mul3A_430 = arith.mulf %get3A_34, %get3A_429 : vector<16xf32>
        %get3A_431 = arith.constant 0 : i32
        %get3A_432 = arith.constant 0 : i32
        %get3A_433 = tpu.memref_slice %arg12[%scan3A_206, %get3A_431, %get3A_432] : memref<2x128x128xf32, #tpu.memory_space<vmem>> -> memref<1x128x128xf32, #tpu.memory_space<vmem>>
        %get3A_434 = tpu.memref_squeeze %get3A_433 : memref<1x128x128xf32, #tpu.memory_space<vmem>> -> memref<128x128xf32, #tpu.memory_space<vmem>>
        %get3A_435 = arith.index_cast %scan3A_310 : i32 to index
        %get3A_436 = arith.constant 64 : index
        %get3A_437 = tpu.vector_load %get3A_434[%get3A_435, %get3A_436] {strides = array<i32>} : memref<128x128xf32, #tpu.memory_space<vmem>>, vector<1x16xf32>,
        %get3A_438 = vector.shape_cast %get3A_437 : vector<1x16xf32> to vector<16xf32>
        %mul3A_439 = arith.mulf %get3A_58, %get3A_438 : vector<16xf32>
        %add3A_440 = arith.addf %mul3A_430, %mul3A_439 : vector<16xf32>
        %swap3A_441 = arith.constant 0 : i32
        %swap3A_442 = arith.constant 0 : i32
        %swap3A_443 = tpu.memref_slice %arg13[%scan3A_207, %swap3A_441, %swap3A_442] : memref<2x128x128xf32, #tpu.memory_space<vmem>> -> memref<1x128x128xf32, #tpu.memory_space<vmem>>
        %swap3A_444 = tpu.memref_squeeze %swap3A_443 : memref<1x128x128xf32, #tpu.memory_space<vmem>> -> memref<128x128xf32, #tpu.memory_space<vmem>>
        %swap3A_445 = arith.index_cast %scan3A_310 : i32 to index
        %swap3A_446 = arith.constant 64 : index
        %swap3A_447 = tpu.vector_load %swap3A_444[%swap3A_445, %swap3A_446] {strides = array<i32>} : memref<128x128xf32, #tpu.memory_space<vmem>>, vector<1x16xf32>,
        %swap3A_448 = vector.shape_cast %swap3A_447 : vector<1x16xf32> to vector<16xf32>
        %swap3A_449 = vector.shape_cast %add3A_440 : vector<16xf32> to vector<1x16xf32>
        tpu.vector_store %swap3A_444[%swap3A_445, %swap3A_446], %swap3A_449 {strides = array<i32>} : memref<128x128xf32, #tpu.memory_space<vmem>>, vector<1x16xf32>,
        %get3A_450 = arith.constant 0 : i32
        %get3A_451 = arith.constant 0 : i32
        %get3A_452 = tpu.memref_slice %arg11[%scan3A_205, %get3A_450, %get3A_451] : memref<2x128x128xf32, #tpu.memory_space<vmem>> -> memref<1x128x128xf32, #tpu.memory_space<vmem>>
        %get3A_453 = tpu.memref_squeeze %get3A_452 : memref<1x128x128xf32, #tpu.memory_space<vmem>> -> memref<128x128xf32, #tpu.memory_space<vmem>>
        %get3A_454 = arith.index_cast %scan3A_310 : i32 to index
        %get3A_455 = arith.constant 80 : index
        %get3A_456 = tpu.vector_load %get3A_453[%get3A_454, %get3A_455] {strides = array<i32>} : memref<128x128xf32, #tpu.memory_space<vmem>>, vector<1x16xf32>,
        %get3A_457 = vector.shape_cast %get3A_456 : vector<1x16xf32> to vector<16xf32>
        %mul3A_458 = arith.mulf %get3A_37, %get3A_457 : vector<16xf32>
        %get3A_459 = arith.constant 0 : i32
        %get3A_460 = arith.constant 0 : i32
        %get3A_461 = tpu.memref_slice %arg12[%scan3A_206, %get3A_459, %get3A_460] : memref<2x128x128xf32, #tpu.memory_space<vmem>> -> memref<1x128x128xf32, #tpu.memory_space<vmem>>
        %get3A_462 = tpu.memref_squeeze %get3A_461 : memref<1x128x128xf32, #tpu.memory_space<vmem>> -> memref<128x128xf32, #tpu.memory_space<vmem>>
        %get3A_463 = arith.index_cast %scan3A_310 : i32 to index
        %get3A_464 = arith.constant 80 : index
        %get3A_465 = tpu.vector_load %get3A_462[%get3A_463, %get3A_464] {strides = array<i32>} : memref<128x128xf32, #tpu.memory_space<vmem>>, vector<1x16xf32>,
        %get3A_466 = vector.shape_cast %get3A_465 : vector<1x16xf32> to vector<16xf32>
        %mul3A_467 = arith.mulf %get3A_61, %get3A_466 : vector<16xf32>
        %add3A_468 = arith.addf %mul3A_458, %mul3A_467 : vector<16xf32>
        %swap3A_469 = arith.constant 0 : i32
        %swap3A_470 = arith.constant 0 : i32
        %swap3A_471 = tpu.memref_slice %arg13[%scan3A_207, %swap3A_469, %swap3A_470] : memref<2x128x128xf32, #tpu.memory_space<vmem>> -> memref<1x128x128xf32, #tpu.memory_space<vmem>>
        %swap3A_472 = tpu.memref_squeeze %swap3A_471 : memref<1x128x128xf32, #tpu.memory_space<vmem>> -> memref<128x128xf32, #tpu.memory_space<vmem>>
        %swap3A_473 = arith.index_cast %scan3A_310 : i32 to index
        %swap3A_474 = arith.constant 80 : index
        %swap3A_475 = tpu.vector_load %swap3A_472[%swap3A_473, %swap3A_474] {strides = array<i32>} : memref<128x128xf32, #tpu.memory_space<vmem>>, vector<1x16xf32>,
        %swap3A_476 = vector.shape_cast %swap3A_475 : vector<1x16xf32> to vector<16xf32>
        %swap3A_477 = vector.shape_cast %add3A_468 : vector<16xf32> to vector<1x16xf32>
        tpu.vector_store %swap3A_472[%swap3A_473, %swap3A_474], %swap3A_477 {strides = array<i32>} : memref<128x128xf32, #tpu.memory_space<vmem>>, vector<1x16xf32>,
        %get3A_478 = arith.constant 0 : i32
        %get3A_479 = arith.constant 0 : i32
        %get3A_480 = tpu.memref_slice %arg11[%scan3A_205, %get3A_478, %get3A_479] : memref<2x128x128xf32, #tpu.memory_space<vmem>> -> memref<1x128x128xf32, #tpu.memory_space<vmem>>
        %get3A_481 = tpu.memref_squeeze %get3A_480 : memref<1x128x128xf32, #tpu.memory_space<vmem>> -> memref<128x128xf32, #tpu.memory_space<vmem>>
        %get3A_482 = arith.index_cast %scan3A_310 : i32 to index
        %get3A_483 = arith.constant 96 : index
        %get3A_484 = tpu.vector_load %get3A_481[%get3A_482, %get3A_483] {strides = array<i32>} : memref<128x128xf32, #tpu.memory_space<vmem>>, vector<1x16xf32>,
        %get3A_485 = vector.shape_cast %get3A_484 : vector<1x16xf32> to vector<16xf32>
        %mul3A_486 = arith.mulf %get3A_40, %get3A_485 : vector<16xf32>
        %get3A_487 = arith.constant 0 : i32
        %get3A_488 = arith.constant 0 : i32
        %get3A_489 = tpu.memref_slice %arg12[%scan3A_206, %get3A_487, %get3A_488] : memref<2x128x128xf32, #tpu.memory_space<vmem>> -> memref<1x128x128xf32, #tpu.memory_space<vmem>>
        %get3A_490 = tpu.memref_squeeze %get3A_489 : memref<1x128x128xf32, #tpu.memory_space<vmem>> -> memref<128x128xf32, #tpu.memory_space<vmem>>
        %get3A_491 = arith.index_cast %scan3A_310 : i32 to index
        %get3A_492 = arith.constant 96 : index
        %get3A_493 = tpu.vector_load %get3A_490[%get3A_491, %get3A_492] {strides = array<i32>} : memref<128x128xf32, #tpu.memory_space<vmem>>, vector<1x16xf32>,
        %get3A_494 = vector.shape_cast %get3A_493 : vector<1x16xf32> to vector<16xf32>
        %mul3A_495 = arith.mulf %get3A_64, %get3A_494 : vector<16xf32>
        %add3A_496 = arith.addf %mul3A_486, %mul3A_495 : vector<16xf32>
        %swap3A_497 = arith.constant 0 : i32
        %swap3A_498 = arith.constant 0 : i32
        %swap3A_499 = tpu.memref_slice %arg13[%scan3A_207, %swap3A_497, %swap3A_498] : memref<2x128x128xf32, #tpu.memory_space<vmem>> -> memref<1x128x128xf32, #tpu.memory_space<vmem>>
        %swap3A_500 = tpu.memref_squeeze %swap3A_499 : memref<1x128x128xf32, #tpu.memory_space<vmem>> -> memref<128x128xf32, #tpu.memory_space<vmem>>
        %swap3A_501 = arith.index_cast %scan3A_310 : i32 to index
        %swap3A_502 = arith.constant 96 : index
        %swap3A_503 = tpu.vector_load %swap3A_500[%swap3A_501, %swap3A_502] {strides = array<i32>} : memref<128x128xf32, #tpu.memory_space<vmem>>, vector<1x16xf32>,
        %swap3A_504 = vector.shape_cast %swap3A_503 : vector<1x16xf32> to vector<16xf32>
        %swap3A_505 = vector.shape_cast %add3A_496 : vector<16xf32> to vector<1x16xf32>
        tpu.vector_store %swap3A_500[%swap3A_501, %swap3A_502], %swap3A_505 {strides = array<i32>} : memref<128x128xf32, #tpu.memory_space<vmem>>, vector<1x16xf32>,
        %get3A_506 = arith.constant 0 : i32
        %get3A_507 = arith.constant 0 : i32
        %get3A_508 = tpu.memref_slice %arg11[%scan3A_205, %get3A_506, %get3A_507] : memref<2x128x128xf32, #tpu.memory_space<vmem>> -> memref<1x128x128xf32, #tpu.memory_space<vmem>>
        %get3A_509 = tpu.memref_squeeze %get3A_508 : memref<1x128x128xf32, #tpu.memory_space<vmem>> -> memref<128x128xf32, #tpu.memory_space<vmem>>
        %get3A_510 = arith.index_cast %scan3A_310 : i32 to index
        %get3A_511 = arith.constant 112 : index
        %get3A_512 = tpu.vector_load %get3A_509[%get3A_510, %get3A_511] {strides = array<i32>} : memref<128x128xf32, #tpu.memory_space<vmem>>, vector<1x16xf32>,
        %get3A_513 = vector.shape_cast %get3A_512 : vector<1x16xf32> to vector<16xf32>
        %mul3A_514 = arith.mulf %get3A_43, %get3A_513 : vector<16xf32>
        %get3A_515 = arith.constant 0 : i32
        %get3A_516 = arith.constant 0 : i32
        %get3A_517 = tpu.memref_slice %arg12[%scan3A_206, %get3A_515, %get3A_516] : memref<2x128x128xf32, #tpu.memory_space<vmem>> -> memref<1x128x128xf32, #tpu.memory_space<vmem>>
        %get3A_518 = tpu.memref_squeeze %get3A_517 : memref<1x128x128xf32, #tpu.memory_space<vmem>> -> memref<128x128xf32, #tpu.memory_space<vmem>>
        %get3A_519 = arith.index_cast %scan3A_310 : i32 to index
        %get3A_520 = arith.constant 112 : index
        %get3A_521 = tpu.vector_load %get3A_518[%get3A_519, %get3A_520] {strides = array<i32>} : memref<128x128xf32, #tpu.memory_space<vmem>>, vector<1x16xf32>,
        %get3A_522 = vector.shape_cast %get3A_521 : vector<1x16xf32> to vector<16xf32>
        %mul3A_523 = arith.mulf %get3A_67, %get3A_522 : vector<16xf32>
        %add3A_524 = arith.addf %mul3A_514, %mul3A_523 : vector<16xf32>
        %swap3A_525 = arith.constant 0 : i32
        %swap3A_526 = arith.constant 0 : i32
        %swap3A_527 = tpu.memref_slice %arg13[%scan3A_207, %swap3A_525, %swap3A_526] : memref<2x128x128xf32, #tpu.memory_space<vmem>> -> memref<1x128x128xf32, #tpu.memory_space<vmem>>
        %swap3A_528 = tpu.memref_squeeze %swap3A_527 : memref<1x128x128xf32, #tpu.memory_space<vmem>> -> memref<128x128xf32, #tpu.memory_space<vmem>>
        %swap3A_529 = arith.index_cast %scan3A_310 : i32 to index
        %swap3A_530 = arith.constant 112 : index
        %swap3A_531 = tpu.vector_load %swap3A_528[%swap3A_529, %swap3A_530] {strides = array<i32>} : memref<128x128xf32, #tpu.memory_space<vmem>>, vector<1x16xf32>,
        %swap3A_532 = vector.shape_cast %swap3A_531 : vector<1x16xf32> to vector<16xf32>
        %swap3A_533 = vector.shape_cast %add3A_524 : vector<16xf32> to vector<1x16xf32>
        tpu.vector_store %swap3A_528[%swap3A_529, %swap3A_530], %swap3A_533 {strides = array<i32>} : memref<128x128xf32, #tpu.memory_space<vmem>>, vector<1x16xf32>,
      }
      %scan3A_212 = arith.constant 128 : i32
      %ge3A = arith.constant 2 : i32
      %ge3A_213 = arith.cmpi sge, %mul3A_171, %ge3A : i32
      %convert_element_type3A = arith.extui %ge3A_213 : i1 to i32
      %cond3A = arith.constant 0 : i32
      %cond3A_214 = arith.cmpi ne, %convert_element_type3A, %cond3A : i32
      scf.if %cond3A_214 {
        %dma_wait3A_310 = arith.constant 0 : i32
        %dma_wait3A_311 = arith.constant 0 : i32
        %dma_wait3A_312 = arith.constant 0 : i32
        %dma_wait3A_313 = arith.constant 0 : i32
        %dma_wait3A_314 = tpu.memref_slice %arg13[%dma_wait3A_310, %dma_wait3A_312, %dma_wait3A_313] : memref<2x128x128xf32, #tpu.memory_space<vmem>> -> memref<1x128x128xf32, #tpu.memory_space<vmem>>
        %dma_wait3A_315 = tpu.memref_squeeze %dma_wait3A_314 : memref<1x128x128xf32, #tpu.memory_space<vmem>> -> memref<128x128xf32, #tpu.memory_space<vmem>>
        %dma_wait3A_316 = arith.constant 0 : i32
        %dma_wait3A_317 = tpu.memref_slice %arg7[%dma_wait3A_316, %mul3A_2] : memref<16384x4096xf32, #tpu.memory_space<hbm>> -> memref<128x128xf32, #tpu.memory_space<hbm>>
        %dma_wait3A_318 = tpu.memref_slice %arg15[%dma_wait3A_311] : memref<2x!tpu.dma_semaphore, #tpu.memory_space<semaphore_mem>> -> memref<1x!tpu.dma_semaphore, #tpu.memory_space<semaphore_mem>>
        %dma_wait3A_319 = tpu.memref_squeeze %dma_wait3A_318 : memref<1x!tpu.dma_semaphore, #tpu.memory_space<semaphore_mem>> -> memref<!tpu.dma_semaphore, #tpu.memory_space<semaphore_mem>>
        %dma_wait3A_320 = arith.constant 0 : i32
        %dma_wait3A_321 = tpu.memref_slice %arg7[%dma_wait3A_320, %mul3A_2] : memref<16384x4096xf32, #tpu.memory_space<hbm>> -> memref<128x128xf32, #tpu.memory_space<hbm>>
        %dma_wait3A_322 = arith.constant 0 : i32
        %dma_wait3A_323 = arith.constant 0 : i32
        %dma_wait3A_324 = tpu.memref_slice %arg13[%dma_wait3A_310, %dma_wait3A_322, %dma_wait3A_323] : memref<2x128x128xf32, #tpu.memory_space<vmem>> -> memref<1x128x128xf32, #tpu.memory_space<vmem>>
        %dma_wait3A_325 = tpu.memref_squeeze %dma_wait3A_324 : memref<1x128x128xf32, #tpu.memory_space<vmem>> -> memref<128x128xf32, #tpu.memory_space<vmem>>
        tpu.wait_dma2 semaphore(%dma_wait3A_319 : memref<!tpu.dma_semaphore, #tpu.memory_space<semaphore_mem>>) src(%dma_wait3A_325 : memref<128x128xf32, #tpu.memory_space<vmem>>) dst(%dma_wait3A_321 : memref<128x128xf32, #tpu.memory_space<hbm>>)
      } else {
      }
      %mul3A_215 = arith.constant 128 : i32
      %mul3A_216 = arith.muli %mul3A_171, %mul3A_215 : i32
      %dma_start3A_217 = arith.constant 0 : i32
      %dma_start3A_218 = arith.constant 0 : i32
      %dma_start3A_219 = arith.constant 0 : i32
      %dma_start3A_220 = arith.constant 0 : i32
      %dma_start3A_221 = tpu.memref_slice %arg13[%dma_start3A_217, %dma_start3A_219, %dma_start3A_220] : memref<2x128x128xf32, #tpu.memory_space<vmem>> -> memref<1x128x128xf32, #tpu.memory_space<vmem>>
      %dma_start3A_222 = tpu.memref_squeeze %dma_start3A_221 : memref<1x128x128xf32, #tpu.memory_space<vmem>> -> memref<128x128xf32, #tpu.memory_space<vmem>>
      %dma_start3A_223 = tpu.memref_slice %arg7[%mul3A_216, %mul3A_2] : memref<16384x4096xf32, #tpu.memory_space<hbm>> -> memref<128x128xf32, #tpu.memory_space<hbm>>
      %dma_start3A_224 = tpu.memref_slice %arg15[%dma_start3A_218] : memref<2x!tpu.dma_semaphore, #tpu.memory_space<semaphore_mem>> -> memref<1x!tpu.dma_semaphore, #tpu.memory_space<semaphore_mem>>
      %dma_start3A_225 = tpu.memref_squeeze %dma_start3A_224 : memref<1x!tpu.dma_semaphore, #tpu.memory_space<semaphore_mem>> -> memref<!tpu.dma_semaphore, #tpu.memory_space<semaphore_mem>>
      %dma_start3A_226 = tpu.memref_slice %arg7[%mul3A_216, %mul3A_2] : memref<16384x4096xf32, #tpu.memory_space<hbm>> -> memref<128x128xf32, #tpu.memory_space<hbm>>
      %dma_start3A_227 = arith.constant 0 : i32
      %dma_start3A_228 = arith.constant 0 : i32
      %dma_start3A_229 = tpu.memref_slice %arg13[%dma_start3A_217, %dma_start3A_227, %dma_start3A_228] : memref<2x128x128xf32, #tpu.memory_space<vmem>> -> memref<1x128x128xf32, #tpu.memory_space<vmem>>
      %dma_start3A_230 = tpu.memref_squeeze %dma_start3A_229 : memref<1x128x128xf32, #tpu.memory_space<vmem>> -> memref<128x128xf32, #tpu.memory_space<vmem>>
      tpu.enqueue_dma source(%dma_start3A_230 : memref<128x128xf32, #tpu.memory_space<vmem>>) target(%dma_start3A_226 : memref<128x128xf32, #tpu.memory_space<hbm>>) target_semaphore(%dma_start3A_225 : memref<!tpu.dma_semaphore, #tpu.memory_space<semaphore_mem>>)
      %add3A_231 = arith.constant 2 : i32
      %add3A_232 = arith.addi %mul3A_171, %add3A_231 : i32
      %lt3A = arith.constant 128 : i32
      %lt3A_233 = arith.cmpi slt, %add3A_232, %lt3A : i32
      %convert_element_type3A_234 = arith.extui %lt3A_233 : i1 to i32
      %cond3A_235 = arith.constant 0 : i32
      %cond3A_236 = arith.cmpi ne, %convert_element_type3A_234, %cond3A_235 : i32
      scf.if %cond3A_236 {
        %add3A_310 = arith.constant 2 : i32
        %add3A_311 = arith.addi %mul3A_171, %add3A_310 : i32
        %mul3A_312 = arith.constant 128 : i32
        %mul3A_313 = arith.muli %add3A_311, %mul3A_312 : i32
        %dma_start3A_314 = arith.constant 0 : i32
        %dma_start3A_315 = arith.constant 0 : i32
        %dma_start3A_316 = arith.constant 0 : i32
        %dma_start3A_317 = arith.constant 0 : i32
        %dma_start3A_318 = tpu.memref_slice %arg11[%dma_start3A_314, %dma_start3A_316, %dma_start3A_317] : memref<2x128x128xf32, #tpu.memory_space<vmem>> -> memref<1x128x128xf32, #tpu.memory_space<vmem>>
        %dma_start3A_319 = tpu.memref_squeeze %dma_start3A_318 : memref<1x128x128xf32, #tpu.memory_space<vmem>> -> memref<128x128xf32, #tpu.memory_space<vmem>>
        %dma_start3A_320 = tpu.memref_slice %arg5[%mul3A_313, %mul3A_2] : memref<16384x4096xf32, #tpu.memory_space<hbm>> -> memref<128x128xf32, #tpu.memory_space<hbm>>
        %dma_start3A_321 = tpu.memref_slice %arg14[%dma_start3A_315] : memref<2x!tpu.dma_semaphore, #tpu.memory_space<semaphore_mem>> -> memref<1x!tpu.dma_semaphore, #tpu.memory_space<semaphore_mem>>
        %dma_start3A_322 = tpu.memref_squeeze %dma_start3A_321 : memref<1x!tpu.dma_semaphore, #tpu.memory_space<semaphore_mem>> -> memref<!tpu.dma_semaphore, #tpu.memory_space<semaphore_mem>>
        %dma_start3A_323 = arith.constant 0 : i32
        %dma_start3A_324 = arith.constant 0 : i32
        %dma_start3A_325 = tpu.memref_slice %arg11[%dma_start3A_314, %dma_start3A_323, %dma_start3A_324] : memref<2x128x128xf32, #tpu.memory_space<vmem>> -> memref<1x128x128xf32, #tpu.memory_space<vmem>>
        %dma_start3A_326 = tpu.memref_squeeze %dma_start3A_325 : memref<1x128x128xf32, #tpu.memory_space<vmem>> -> memref<128x128xf32, #tpu.memory_space<vmem>>
        %dma_start3A_327 = tpu.memref_slice %arg5[%mul3A_313, %mul3A_2] : memref<16384x4096xf32, #tpu.memory_space<hbm>> -> memref<128x128xf32, #tpu.memory_space<hbm>>
        tpu.enqueue_dma source(%dma_start3A_327 : memref<128x128xf32, #tpu.memory_space<hbm>>) target(%dma_start3A_326 : memref<128x128xf32, #tpu.memory_space<vmem>>) target_semaphore(%dma_start3A_322 : memref<!tpu.dma_semaphore, #tpu.memory_space<semaphore_mem>>)
        %dma_start3A_328 = arith.constant 0 : i32
        %dma_start3A_329 = arith.constant 0 : i32
        %dma_start3A_330 = arith.constant 0 : i32
        %dma_start3A_331 = arith.constant 0 : i32
        %dma_start3A_332 = tpu.memref_slice %arg12[%dma_start3A_328, %dma_start3A_330, %dma_start3A_331] : memref<2x128x128xf32, #tpu.memory_space<vmem>> -> memref<1x128x128xf32, #tpu.memory_space<vmem>>
        %dma_start3A_333 = tpu.memref_squeeze %dma_start3A_332 : memref<1x128x128xf32, #tpu.memory_space<vmem>> -> memref<128x128xf32, #tpu.memory_space<vmem>>
        %dma_start3A_334 = tpu.memref_slice %arg6[%mul3A_313, %mul3A_2] : memref<16384x4096xf32, #tpu.memory_space<hbm>> -> memref<128x128xf32, #tpu.memory_space<hbm>>
        %dma_start3A_335 = tpu.memref_slice %arg14[%dma_start3A_329] : memref<2x!tpu.dma_semaphore, #tpu.memory_space<semaphore_mem>> -> memref<1x!tpu.dma_semaphore, #tpu.memory_space<semaphore_mem>>
        %dma_start3A_336 = tpu.memref_squeeze %dma_start3A_335 : memref<1x!tpu.dma_semaphore, #tpu.memory_space<semaphore_mem>> -> memref<!tpu.dma_semaphore, #tpu.memory_space<semaphore_mem>>
        %dma_start3A_337 = arith.constant 0 : i32
        %dma_start3A_338 = arith.constant 0 : i32
        %dma_start3A_339 = tpu.memref_slice %arg12[%dma_start3A_328, %dma_start3A_337, %dma_start3A_338] : memref<2x128x128xf32, #tpu.memory_space<vmem>> -> memref<1x128x128xf32, #tpu.memory_space<vmem>>
        %dma_start3A_340 = tpu.memref_squeeze %dma_start3A_339 : memref<1x128x128xf32, #tpu.memory_space<vmem>> -> memref<128x128xf32, #tpu.memory_space<vmem>>
        %dma_start3A_341 = tpu.memref_slice %arg6[%mul3A_313, %mul3A_2] : memref<16384x4096xf32, #tpu.memory_space<hbm>> -> memref<128x128xf32, #tpu.memory_space<hbm>>
        tpu.enqueue_dma source(%dma_start3A_341 : memref<128x128xf32, #tpu.memory_space<hbm>>) target(%dma_start3A_340 : memref<128x128xf32, #tpu.memory_space<vmem>>) target_semaphore(%dma_start3A_336 : memref<!tpu.dma_semaphore, #tpu.memory_space<semaphore_mem>>)
      } else {
      }
      %mul3A_237 = arith.constant 2 : i32
      %mul3A_238 = arith.muli %scan3A_169, %mul3A_237 : i32
      %add3A_239 = arith.constant 1 : i32
      %add3A_240 = arith.addi %mul3A_238, %add3A_239 : i32
      %dma_wait3A_241 = arith.constant 1 : i32
      %dma_wait3A_242 = arith.constant 1 : i32
      %dma_wait3A_243 = arith.constant 0 : i32
      %dma_wait3A_244 = arith.constant 0 : i32
      %dma_wait3A_245 = tpu.memref_slice %arg11[%dma_wait3A_241, %dma_wait3A_243, %dma_wait3A_244] : memref<2x128x128xf32, #tpu.memory_space<vmem>> -> memref<1x128x128xf32, #tpu.memory_space<vmem>>
      %dma_wait3A_246 = tpu.memref_squeeze %dma_wait3A_245 : memref<1x128x128xf32, #tpu.memory_space<vmem>> -> memref<128x128xf32, #tpu.memory_space<vmem>>
      %dma_wait3A_247 = arith.constant 0 : i32
      %dma_wait3A_248 = tpu.memref_slice %arg5[%dma_wait3A_247, %mul3A_2] : memref<16384x4096xf32, #tpu.memory_space<hbm>> -> memref<128x128xf32, #tpu.memory_space<hbm>>
      %dma_wait3A_249 = tpu.memref_slice %arg14[%dma_wait3A_242] : memref<2x!tpu.dma_semaphore, #tpu.memory_space<semaphore_mem>> -> memref<1x!tpu.dma_semaphore, #tpu.memory_space<semaphore_mem>>
      %dma_wait3A_250 = tpu.memref_squeeze %dma_wait3A_249 : memref<1x!tpu.dma_semaphore, #tpu.memory_space<semaphore_mem>> -> memref<!tpu.dma_semaphore, #tpu.memory_space<semaphore_mem>>
      %dma_wait3A_251 = arith.constant 0 : i32
      %dma_wait3A_252 = arith.constant 0 : i32
      %dma_wait3A_253 = tpu.memref_slice %arg11[%dma_wait3A_241, %dma_wait3A_251, %dma_wait3A_252] : memref<2x128x128xf32, #tpu.memory_space<vmem>> -> memref<1x128x128xf32, #tpu.memory_space<vmem>>
      %dma_wait3A_254 = tpu.memref_squeeze %dma_wait3A_253 : memref<1x128x128xf32, #tpu.memory_space<vmem>> -> memref<128x128xf32, #tpu.memory_space<vmem>>
      %dma_wait3A_255 = arith.constant 0 : i32
      %dma_wait3A_256 = tpu.memref_slice %arg5[%dma_wait3A_255, %mul3A_2] : memref<16384x4096xf32, #tpu.memory_space<hbm>> -> memref<128x128xf32, #tpu.memory_space<hbm>>
      tpu.wait_dma2 semaphore(%dma_wait3A_250 : memref<!tpu.dma_semaphore, #tpu.memory_space<semaphore_mem>>) src(%dma_wait3A_256 : memref<128x128xf32, #tpu.memory_space<hbm>>) dst(%dma_wait3A_254 : memref<128x128xf32, #tpu.memory_space<vmem>>)
      %dma_wait3A_257 = arith.constant 1 : i32
      %dma_wait3A_258 = arith.constant 1 : i32
      %dma_wait3A_259 = arith.constant 0 : i32
      %dma_wait3A_260 = arith.constant 0 : i32
      %dma_wait3A_261 = tpu.memref_slice %arg12[%dma_wait3A_257, %dma_wait3A_259, %dma_wait3A_260] : memref<2x128x128xf32, #tpu.memory_space<vmem>> -> memref<1x128x128xf32, #tpu.memory_space<vmem>>
      %dma_wait3A_262 = tpu.memref_squeeze %dma_wait3A_261 : memref<1x128x128xf32, #tpu.memory_space<vmem>> -> memref<128x128xf32, #tpu.memory_space<vmem>>
      %dma_wait3A_263 = arith.constant 0 : i32
      %dma_wait3A_264 = tpu.memref_slice %arg6[%dma_wait3A_263, %mul3A_2] : memref<16384x4096xf32, #tpu.memory_space<hbm>> -> memref<128x128xf32, #tpu.memory_space<hbm>>
      %dma_wait3A_265 = tpu.memref_slice %arg14[%dma_wait3A_258] : memref<2x!tpu.dma_semaphore, #tpu.memory_space<semaphore_mem>> -> memref<1x!tpu.dma_semaphore, #tpu.memory_space<semaphore_mem>>
      %dma_wait3A_266 = tpu.memref_squeeze %dma_wait3A_265 : memref<1x!tpu.dma_semaphore, #tpu.memory_space<semaphore_mem>> -> memref<!tpu.dma_semaphore, #tpu.memory_space<semaphore_mem>>
      %dma_wait3A_267 = arith.constant 0 : i32
      %dma_wait3A_268 = arith.constant 0 : i32
      %dma_wait3A_269 = tpu.memref_slice %arg12[%dma_wait3A_257, %dma_wait3A_267, %dma_wait3A_268] : memref<2x128x128xf32, #tpu.memory_space<vmem>> -> memref<1x128x128xf32, #tpu.memory_space<vmem>>
      %dma_wait3A_270 = tpu.memref_squeeze %dma_wait3A_269 : memref<1x128x128xf32, #tpu.memory_space<vmem>> -> memref<128x128xf32, #tpu.memory_space<vmem>>
      %dma_wait3A_271 = arith.constant 0 : i32
      %dma_wait3A_272 = tpu.memref_slice %arg6[%dma_wait3A_271, %mul3A_2] : memref<16384x4096xf32, #tpu.memory_space<hbm>> -> memref<128x128xf32, #tpu.memory_space<hbm>>
      tpu.wait_dma2 semaphore(%dma_wait3A_266 : memref<!tpu.dma_semaphore, #tpu.memory_space<semaphore_mem>>) src(%dma_wait3A_272 : memref<128x128xf32, #tpu.memory_space<hbm>>) dst(%dma_wait3A_270 : memref<128x128xf32, #tpu.memory_space<vmem>>)
      %scan3A_273 = arith.constant 0 : i32
      %scan3A_274 = arith.constant 1 : i32
      %scan3A_275 = arith.constant 1 : i32
      %scan3A_276 = arith.constant 1 : i32
      %scan3A_277 = arith.constant 0 : i32
      %scan3A_278 = arith.constant 128 : i32
      %scan3A_279 = arith.addi %scan3A_277, %scan3A_278 : i32
      %scan3A_280 = arith.constant 1 : i32
      scf.for %scan3A_310 = %scan3A_277 to %scan3A_279 step %scan3A_280  : i32 {
        %get3A_311 = arith.constant 0 : i32
        %get3A_312 = arith.constant 0 : i32
        %get3A_313 = tpu.memref_slice %arg11[%scan3A_274, %get3A_311, %get3A_312] : memref<2x128x128xf32, #tpu.memory_space<vmem>> -> memref<1x128x128xf32, #tpu.memory_space<vmem>>
        %get3A_314 = tpu.memref_squeeze %get3A_313 : memref<1x128x128xf32, #tpu.memory_space<vmem>> -> memref<128x128xf32, #tpu.memory_space<vmem>>
        %get3A_315 = arith.index_cast %scan3A_310 : i32 to index
        %get3A_316 = arith.constant 0 : index
        %get3A_317 = tpu.vector_load %get3A_314[%get3A_315, %get3A_316] {strides = array<i32>} : memref<128x128xf32, #tpu.memory_space<vmem>>, vector<1x16xf32>,
        %get3A_318 = vector.shape_cast %get3A_317 : vector<1x16xf32> to vector<16xf32>
        %mul3A_319 = arith.mulf %get3A_22, %get3A_318 : vector<16xf32>
        %get3A_320 = arith.constant 0 : i32
        %get3A_321 = arith.constant 0 : i32
        %get3A_322 = tpu.memref_slice %arg12[%scan3A_275, %get3A_320, %get3A_321] : memref<2x128x128xf32, #tpu.memory_space<vmem>> -> memref<1x128x128xf32, #tpu.memory_space<vmem>>
        %get3A_323 = tpu.memref_squeeze %get3A_322 : memref<1x128x128xf32, #tpu.memory_space<vmem>> -> memref<128x128xf32, #tpu.memory_space<vmem>>
        %get3A_324 = arith.index_cast %scan3A_310 : i32 to index
        %get3A_325 = arith.constant 0 : index
        %get3A_326 = tpu.vector_load %get3A_323[%get3A_324, %get3A_325] {strides = array<i32>} : memref<128x128xf32, #tpu.memory_space<vmem>>, vector<1x16xf32>,
        %get3A_327 = vector.shape_cast %get3A_326 : vector<1x16xf32> to vector<16xf32>
        %mul3A_328 = arith.mulf %get3A_46, %get3A_327 : vector<16xf32>
        %add3A_329 = arith.addf %mul3A_319, %mul3A_328 : vector<16xf32>
        %swap3A = arith.constant 0 : i32
        %swap3A_330 = arith.constant 0 : i32
        %swap3A_331 = tpu.memref_slice %arg13[%scan3A_276, %swap3A, %swap3A_330] : memref<2x128x128xf32, #tpu.memory_space<vmem>> -> memref<1x128x128xf32, #tpu.memory_space<vmem>>
        %swap3A_332 = tpu.memref_squeeze %swap3A_331 : memref<1x128x128xf32, #tpu.memory_space<vmem>> -> memref<128x128xf32, #tpu.memory_space<vmem>>
        %swap3A_333 = arith.index_cast %scan3A_310 : i32 to index
        %swap3A_334 = arith.constant 0 : index
        %swap3A_335 = tpu.vector_load %swap3A_332[%swap3A_333, %swap3A_334] {strides = array<i32>} : memref<128x128xf32, #tpu.memory_space<vmem>>, vector<1x16xf32>,
        %swap3A_336 = vector.shape_cast %swap3A_335 : vector<1x16xf32> to vector<16xf32>
        %swap3A_337 = vector.shape_cast %add3A_329 : vector<16xf32> to vector<1x16xf32>
        tpu.vector_store %swap3A_332[%swap3A_333, %swap3A_334], %swap3A_337 {strides = array<i32>} : memref<128x128xf32, #tpu.memory_space<vmem>>, vector<1x16xf32>,
        %get3A_338 = arith.constant 0 : i32
        %get3A_339 = arith.constant 0 : i32
        %get3A_340 = tpu.memref_slice %arg11[%scan3A_274, %get3A_338, %get3A_339] : memref<2x128x128xf32, #tpu.memory_space<vmem>> -> memref<1x128x128xf32, #tpu.memory_space<vmem>>
        %get3A_341 = tpu.memref_squeeze %get3A_340 : memref<1x128x128xf32, #tpu.memory_space<vmem>> -> memref<128x128xf32, #tpu.memory_space<vmem>>
        %get3A_342 = arith.index_cast %scan3A_310 : i32 to index
        %get3A_343 = arith.constant 16 : index
        %get3A_344 = tpu.vector_load %get3A_341[%get3A_342, %get3A_343] {strides = array<i32>} : memref<128x128xf32, #tpu.memory_space<vmem>>, vector<1x16xf32>,
        %get3A_345 = vector.shape_cast %get3A_344 : vector<1x16xf32> to vector<16xf32>
        %mul3A_346 = arith.mulf %get3A_25, %get3A_345 : vector<16xf32>
        %get3A_347 = arith.constant 0 : i32
        %get3A_348 = arith.constant 0 : i32
        %get3A_349 = tpu.memref_slice %arg12[%scan3A_275, %get3A_347, %get3A_348] : memref<2x128x128xf32, #tpu.memory_space<vmem>> -> memref<1x128x128xf32, #tpu.memory_space<vmem>>
        %get3A_350 = tpu.memref_squeeze %get3A_349 : memref<1x128x128xf32, #tpu.memory_space<vmem>> -> memref<128x128xf32, #tpu.memory_space<vmem>>
        %get3A_351 = arith.index_cast %scan3A_310 : i32 to index
        %get3A_352 = arith.constant 16 : index
        %get3A_353 = tpu.vector_load %get3A_350[%get3A_351, %get3A_352] {strides = array<i32>} : memref<128x128xf32, #tpu.memory_space<vmem>>, vector<1x16xf32>,
        %get3A_354 = vector.shape_cast %get3A_353 : vector<1x16xf32> to vector<16xf32>
        %mul3A_355 = arith.mulf %get3A_49, %get3A_354 : vector<16xf32>
        %add3A_356 = arith.addf %mul3A_346, %mul3A_355 : vector<16xf32>
        %swap3A_357 = arith.constant 0 : i32
        %swap3A_358 = arith.constant 0 : i32
        %swap3A_359 = tpu.memref_slice %arg13[%scan3A_276, %swap3A_357, %swap3A_358] : memref<2x128x128xf32, #tpu.memory_space<vmem>> -> memref<1x128x128xf32, #tpu.memory_space<vmem>>
        %swap3A_360 = tpu.memref_squeeze %swap3A_359 : memref<1x128x128xf32, #tpu.memory_space<vmem>> -> memref<128x128xf32, #tpu.memory_space<vmem>>
        %swap3A_361 = arith.index_cast %scan3A_310 : i32 to index
        %swap3A_362 = arith.constant 16 : index
        %swap3A_363 = tpu.vector_load %swap3A_360[%swap3A_361, %swap3A_362] {strides = array<i32>} : memref<128x128xf32, #tpu.memory_space<vmem>>, vector<1x16xf32>,
        %swap3A_364 = vector.shape_cast %swap3A_363 : vector<1x16xf32> to vector<16xf32>
        %swap3A_365 = vector.shape_cast %add3A_356 : vector<16xf32> to vector<1x16xf32>
        tpu.vector_store %swap3A_360[%swap3A_361, %swap3A_362], %swap3A_365 {strides = array<i32>} : memref<128x128xf32, #tpu.memory_space<vmem>>, vector<1x16xf32>,
        %get3A_366 = arith.constant 0 : i32
        %get3A_367 = arith.constant 0 : i32
        %get3A_368 = tpu.memref_slice %arg11[%scan3A_274, %get3A_366, %get3A_367] : memref<2x128x128xf32, #tpu.memory_space<vmem>> -> memref<1x128x128xf32, #tpu.memory_space<vmem>>
        %get3A_369 = tpu.memref_squeeze %get3A_368 : memref<1x128x128xf32, #tpu.memory_space<vmem>> -> memref<128x128xf32, #tpu.memory_space<vmem>>
        %get3A_370 = arith.index_cast %scan3A_310 : i32 to index
        %get3A_371 = arith.constant 32 : index
        %get3A_372 = tpu.vector_load %get3A_369[%get3A_370, %get3A_371] {strides = array<i32>} : memref<128x128xf32, #tpu.memory_space<vmem>>, vector<1x16xf32>,
        %get3A_373 = vector.shape_cast %get3A_372 : vector<1x16xf32> to vector<16xf32>
        %mul3A_374 = arith.mulf %get3A_28, %get3A_373 : vector<16xf32>
        %get3A_375 = arith.constant 0 : i32
        %get3A_376 = arith.constant 0 : i32
        %get3A_377 = tpu.memref_slice %arg12[%scan3A_275, %get3A_375, %get3A_376] : memref<2x128x128xf32, #tpu.memory_space<vmem>> -> memref<1x128x128xf32, #tpu.memory_space<vmem>>
        %get3A_378 = tpu.memref_squeeze %get3A_377 : memref<1x128x128xf32, #tpu.memory_space<vmem>> -> memref<128x128xf32, #tpu.memory_space<vmem>>
        %get3A_379 = arith.index_cast %scan3A_310 : i32 to index
        %get3A_380 = arith.constant 32 : index
        %get3A_381 = tpu.vector_load %get3A_378[%get3A_379, %get3A_380] {strides = array<i32>} : memref<128x128xf32, #tpu.memory_space<vmem>>, vector<1x16xf32>,
        %get3A_382 = vector.shape_cast %get3A_381 : vector<1x16xf32> to vector<16xf32>
        %mul3A_383 = arith.mulf %get3A_52, %get3A_382 : vector<16xf32>
        %add3A_384 = arith.addf %mul3A_374, %mul3A_383 : vector<16xf32>
        %swap3A_385 = arith.constant 0 : i32
        %swap3A_386 = arith.constant 0 : i32
        %swap3A_387 = tpu.memref_slice %arg13[%scan3A_276, %swap3A_385, %swap3A_386] : memref<2x128x128xf32, #tpu.memory_space<vmem>> -> memref<1x128x128xf32, #tpu.memory_space<vmem>>
        %swap3A_388 = tpu.memref_squeeze %swap3A_387 : memref<1x128x128xf32, #tpu.memory_space<vmem>> -> memref<128x128xf32, #tpu.memory_space<vmem>>
        %swap3A_389 = arith.index_cast %scan3A_310 : i32 to index
        %swap3A_390 = arith.constant 32 : index
        %swap3A_391 = tpu.vector_load %swap3A_388[%swap3A_389, %swap3A_390] {strides = array<i32>} : memref<128x128xf32, #tpu.memory_space<vmem>>, vector<1x16xf32>,
        %swap3A_392 = vector.shape_cast %swap3A_391 : vector<1x16xf32> to vector<16xf32>
        %swap3A_393 = vector.shape_cast %add3A_384 : vector<16xf32> to vector<1x16xf32>
        tpu.vector_store %swap3A_388[%swap3A_389, %swap3A_390], %swap3A_393 {strides = array<i32>} : memref<128x128xf32, #tpu.memory_space<vmem>>, vector<1x16xf32>,
        %get3A_394 = arith.constant 0 : i32
        %get3A_395 = arith.constant 0 : i32
        %get3A_396 = tpu.memref_slice %arg11[%scan3A_274, %get3A_394, %get3A_395] : memref<2x128x128xf32, #tpu.memory_space<vmem>> -> memref<1x128x128xf32, #tpu.memory_space<vmem>>
        %get3A_397 = tpu.memref_squeeze %get3A_396 : memref<1x128x128xf32, #tpu.memory_space<vmem>> -> memref<128x128xf32, #tpu.memory_space<vmem>>
        %get3A_398 = arith.index_cast %scan3A_310 : i32 to index
        %get3A_399 = arith.constant 48 : index
        %get3A_400 = tpu.vector_load %get3A_397[%get3A_398, %get3A_399] {strides = array<i32>} : memref<128x128xf32, #tpu.memory_space<vmem>>, vector<1x16xf32>,
        %get3A_401 = vector.shape_cast %get3A_400 : vector<1x16xf32> to vector<16xf32>
        %mul3A_402 = arith.mulf %get3A_31, %get3A_401 : vector<16xf32>
        %get3A_403 = arith.constant 0 : i32
        %get3A_404 = arith.constant 0 : i32
        %get3A_405 = tpu.memref_slice %arg12[%scan3A_275, %get3A_403, %get3A_404] : memref<2x128x128xf32, #tpu.memory_space<vmem>> -> memref<1x128x128xf32, #tpu.memory_space<vmem>>
        %get3A_406 = tpu.memref_squeeze %get3A_405 : memref<1x128x128xf32, #tpu.memory_space<vmem>> -> memref<128x128xf32, #tpu.memory_space<vmem>>
        %get3A_407 = arith.index_cast %scan3A_310 : i32 to index
        %get3A_408 = arith.constant 48 : index
        %get3A_409 = tpu.vector_load %get3A_406[%get3A_407, %get3A_408] {strides = array<i32>} : memref<128x128xf32, #tpu.memory_space<vmem>>, vector<1x16xf32>,
        %get3A_410 = vector.shape_cast %get3A_409 : vector<1x16xf32> to vector<16xf32>
        %mul3A_411 = arith.mulf %get3A_55, %get3A_410 : vector<16xf32>
        %add3A_412 = arith.addf %mul3A_402, %mul3A_411 : vector<16xf32>
        %swap3A_413 = arith.constant 0 : i32
        %swap3A_414 = arith.constant 0 : i32
        %swap3A_415 = tpu.memref_slice %arg13[%scan3A_276, %swap3A_413, %swap3A_414] : memref<2x128x128xf32, #tpu.memory_space<vmem>> -> memref<1x128x128xf32, #tpu.memory_space<vmem>>
        %swap3A_416 = tpu.memref_squeeze %swap3A_415 : memref<1x128x128xf32, #tpu.memory_space<vmem>> -> memref<128x128xf32, #tpu.memory_space<vmem>>
        %swap3A_417 = arith.index_cast %scan3A_310 : i32 to index
        %swap3A_418 = arith.constant 48 : index
        %swap3A_419 = tpu.vector_load %swap3A_416[%swap3A_417, %swap3A_418] {strides = array<i32>} : memref<128x128xf32, #tpu.memory_space<vmem>>, vector<1x16xf32>,
        %swap3A_420 = vector.shape_cast %swap3A_419 : vector<1x16xf32> to vector<16xf32>
        %swap3A_421 = vector.shape_cast %add3A_412 : vector<16xf32> to vector<1x16xf32>
        tpu.vector_store %swap3A_416[%swap3A_417, %swap3A_418], %swap3A_421 {strides = array<i32>} : memref<128x128xf32, #tpu.memory_space<vmem>>, vector<1x16xf32>,
        %get3A_422 = arith.constant 0 : i32
        %get3A_423 = arith.constant 0 : i32
        %get3A_424 = tpu.memref_slice %arg11[%scan3A_274, %get3A_422, %get3A_423] : memref<2x128x128xf32, #tpu.memory_space<vmem>> -> memref<1x128x128xf32, #tpu.memory_space<vmem>>
        %get3A_425 = tpu.memref_squeeze %get3A_424 : memref<1x128x128xf32, #tpu.memory_space<vmem>> -> memref<128x128xf32, #tpu.memory_space<vmem>>
        %get3A_426 = arith.index_cast %scan3A_310 : i32 to index
        %get3A_427 = arith.constant 64 : index
        %get3A_428 = tpu.vector_load %get3A_425[%get3A_426, %get3A_427] {strides = array<i32>} : memref<128x128xf32, #tpu.memory_space<vmem>>, vector<1x16xf32>,
        %get3A_429 = vector.shape_cast %get3A_428 : vector<1x16xf32> to vector<16xf32>
        %mul3A_430 = arith.mulf %get3A_34, %get3A_429 : vector<16xf32>
        %get3A_431 = arith.constant 0 : i32
        %get3A_432 = arith.constant 0 : i32
        %get3A_433 = tpu.memref_slice %arg12[%scan3A_275, %get3A_431, %get3A_432] : memref<2x128x128xf32, #tpu.memory_space<vmem>> -> memref<1x128x128xf32, #tpu.memory_space<vmem>>
        %get3A_434 = tpu.memref_squeeze %get3A_433 : memref<1x128x128xf32, #tpu.memory_space<vmem>> -> memref<128x128xf32, #tpu.memory_space<vmem>>
        %get3A_435 = arith.index_cast %scan3A_310 : i32 to index
        %get3A_436 = arith.constant 64 : index
        %get3A_437 = tpu.vector_load %get3A_434[%get3A_435, %get3A_436] {strides = array<i32>} : memref<128x128xf32, #tpu.memory_space<vmem>>, vector<1x16xf32>,
        %get3A_438 = vector.shape_cast %get3A_437 : vector<1x16xf32> to vector<16xf32>
        %mul3A_439 = arith.mulf %get3A_58, %get3A_438 : vector<16xf32>
        %add3A_440 = arith.addf %mul3A_430, %mul3A_439 : vector<16xf32>
        %swap3A_441 = arith.constant 0 : i32
        %swap3A_442 = arith.constant 0 : i32
        %swap3A_443 = tpu.memref_slice %arg13[%scan3A_276, %swap3A_441, %swap3A_442] : memref<2x128x128xf32, #tpu.memory_space<vmem>> -> memref<1x128x128xf32, #tpu.memory_space<vmem>>
        %swap3A_444 = tpu.memref_squeeze %swap3A_443 : memref<1x128x128xf32, #tpu.memory_space<vmem>> -> memref<128x128xf32, #tpu.memory_space<vmem>>
        %swap3A_445 = arith.index_cast %scan3A_310 : i32 to index
        %swap3A_446 = arith.constant 64 : index
        %swap3A_447 = tpu.vector_load %swap3A_444[%swap3A_445, %swap3A_446] {strides = array<i32>} : memref<128x128xf32, #tpu.memory_space<vmem>>, vector<1x16xf32>,
        %swap3A_448 = vector.shape_cast %swap3A_447 : vector<1x16xf32> to vector<16xf32>
        %swap3A_449 = vector.shape_cast %add3A_440 : vector<16xf32> to vector<1x16xf32>
        tpu.vector_store %swap3A_444[%swap3A_445, %swap3A_446], %swap3A_449 {strides = array<i32>} : memref<128x128xf32, #tpu.memory_space<vmem>>, vector<1x16xf32>,
        %get3A_450 = arith.constant 0 : i32
        %get3A_451 = arith.constant 0 : i32
        %get3A_452 = tpu.memref_slice %arg11[%scan3A_274, %get3A_450, %get3A_451] : memref<2x128x128xf32, #tpu.memory_space<vmem>> -> memref<1x128x128xf32, #tpu.memory_space<vmem>>
        %get3A_453 = tpu.memref_squeeze %get3A_452 : memref<1x128x128xf32, #tpu.memory_space<vmem>> -> memref<128x128xf32, #tpu.memory_space<vmem>>
        %get3A_454 = arith.index_cast %scan3A_310 : i32 to index
        %get3A_455 = arith.constant 80 : index
        %get3A_456 = tpu.vector_load %get3A_453[%get3A_454, %get3A_455] {strides = array<i32>} : memref<128x128xf32, #tpu.memory_space<vmem>>, vector<1x16xf32>,
        %get3A_457 = vector.shape_cast %get3A_456 : vector<1x16xf32> to vector<16xf32>
        %mul3A_458 = arith.mulf %get3A_37, %get3A_457 : vector<16xf32>
        %get3A_459 = arith.constant 0 : i32
        %get3A_460 = arith.constant 0 : i32
        %get3A_461 = tpu.memref_slice %arg12[%scan3A_275, %get3A_459, %get3A_460] : memref<2x128x128xf32, #tpu.memory_space<vmem>> -> memref<1x128x128xf32, #tpu.memory_space<vmem>>
        %get3A_462 = tpu.memref_squeeze %get3A_461 : memref<1x128x128xf32, #tpu.memory_space<vmem>> -> memref<128x128xf32, #tpu.memory_space<vmem>>
        %get3A_463 = arith.index_cast %scan3A_310 : i32 to index
        %get3A_464 = arith.constant 80 : index
        %get3A_465 = tpu.vector_load %get3A_462[%get3A_463, %get3A_464] {strides = array<i32>} : memref<128x128xf32, #tpu.memory_space<vmem>>, vector<1x16xf32>,
        %get3A_466 = vector.shape_cast %get3A_465 : vector<1x16xf32> to vector<16xf32>
        %mul3A_467 = arith.mulf %get3A_61, %get3A_466 : vector<16xf32>
        %add3A_468 = arith.addf %mul3A_458, %mul3A_467 : vector<16xf32>
        %swap3A_469 = arith.constant 0 : i32
        %swap3A_470 = arith.constant 0 : i32
        %swap3A_471 = tpu.memref_slice %arg13[%scan3A_276, %swap3A_469, %swap3A_470] : memref<2x128x128xf32, #tpu.memory_space<vmem>> -> memref<1x128x128xf32, #tpu.memory_space<vmem>>
        %swap3A_472 = tpu.memref_squeeze %swap3A_471 : memref<1x128x128xf32, #tpu.memory_space<vmem>> -> memref<128x128xf32, #tpu.memory_space<vmem>>
        %swap3A_473 = arith.index_cast %scan3A_310 : i32 to index
        %swap3A_474 = arith.constant 80 : index
        %swap3A_475 = tpu.vector_load %swap3A_472[%swap3A_473, %swap3A_474] {strides = array<i32>} : memref<128x128xf32, #tpu.memory_space<vmem>>, vector<1x16xf32>,
        %swap3A_476 = vector.shape_cast %swap3A_475 : vector<1x16xf32> to vector<16xf32>
        %swap3A_477 = vector.shape_cast %add3A_468 : vector<16xf32> to vector<1x16xf32>
        tpu.vector_store %swap3A_472[%swap3A_473, %swap3A_474], %swap3A_477 {strides = array<i32>} : memref<128x128xf32, #tpu.memory_space<vmem>>, vector<1x16xf32>,
        %get3A_478 = arith.constant 0 : i32
        %get3A_479 = arith.constant 0 : i32
        %get3A_480 = tpu.memref_slice %arg11[%scan3A_274, %get3A_478, %get3A_479] : memref<2x128x128xf32, #tpu.memory_space<vmem>> -> memref<1x128x128xf32, #tpu.memory_space<vmem>>
        %get3A_481 = tpu.memref_squeeze %get3A_480 : memref<1x128x128xf32, #tpu.memory_space<vmem>> -> memref<128x128xf32, #tpu.memory_space<vmem>>
        %get3A_482 = arith.index_cast %scan3A_310 : i32 to index
        %get3A_483 = arith.constant 96 : index
        %get3A_484 = tpu.vector_load %get3A_481[%get3A_482, %get3A_483] {strides = array<i32>} : memref<128x128xf32, #tpu.memory_space<vmem>>, vector<1x16xf32>,
        %get3A_485 = vector.shape_cast %get3A_484 : vector<1x16xf32> to vector<16xf32>
        %mul3A_486 = arith.mulf %get3A_40, %get3A_485 : vector<16xf32>
        %get3A_487 = arith.constant 0 : i32
        %get3A_488 = arith.constant 0 : i32
        %get3A_489 = tpu.memref_slice %arg12[%scan3A_275, %get3A_487, %get3A_488] : memref<2x128x128xf32, #tpu.memory_space<vmem>> -> memref<1x128x128xf32, #tpu.memory_space<vmem>>
        %get3A_490 = tpu.memref_squeeze %get3A_489 : memref<1x128x128xf32, #tpu.memory_space<vmem>> -> memref<128x128xf32, #tpu.memory_space<vmem>>
        %get3A_491 = arith.index_cast %scan3A_310 : i32 to index
        %get3A_492 = arith.constant 96 : index
        %get3A_493 = tpu.vector_load %get3A_490[%get3A_491, %get3A_492] {strides = array<i32>} : memref<128x128xf32, #tpu.memory_space<vmem>>, vector<1x16xf32>,
        %get3A_494 = vector.shape_cast %get3A_493 : vector<1x16xf32> to vector<16xf32>
        %mul3A_495 = arith.mulf %get3A_64, %get3A_494 : vector<16xf32>
        %add3A_496 = arith.addf %mul3A_486, %mul3A_495 : vector<16xf32>
        %swap3A_497 = arith.constant 0 : i32
        %swap3A_498 = arith.constant 0 : i32
        %swap3A_499 = tpu.memref_slice %arg13[%scan3A_276, %swap3A_497, %swap3A_498] : memref<2x128x128xf32, #tpu.memory_space<vmem>> -> memref<1x128x128xf32, #tpu.memory_space<vmem>>
        %swap3A_500 = tpu.memref_squeeze %swap3A_499 : memref<1x128x128xf32, #tpu.memory_space<vmem>> -> memref<128x128xf32, #tpu.memory_space<vmem>>
        %swap3A_501 = arith.index_cast %scan3A_310 : i32 to index
        %swap3A_502 = arith.constant 96 : index
        %swap3A_503 = tpu.vector_load %swap3A_500[%swap3A_501, %swap3A_502] {strides = array<i32>} : memref<128x128xf32, #tpu.memory_space<vmem>>, vector<1x16xf32>,
        %swap3A_504 = vector.shape_cast %swap3A_503 : vector<1x16xf32> to vector<16xf32>
        %swap3A_505 = vector.shape_cast %add3A_496 : vector<16xf32> to vector<1x16xf32>
        tpu.vector_store %swap3A_500[%swap3A_501, %swap3A_502], %swap3A_505 {strides = array<i32>} : memref<128x128xf32, #tpu.memory_space<vmem>>, vector<1x16xf32>,
        %get3A_506 = arith.constant 0 : i32
        %get3A_507 = arith.constant 0 : i32
        %get3A_508 = tpu.memref_slice %arg11[%scan3A_274, %get3A_506, %get3A_507] : memref<2x128x128xf32, #tpu.memory_space<vmem>> -> memref<1x128x128xf32, #tpu.memory_space<vmem>>
        %get3A_509 = tpu.memref_squeeze %get3A_508 : memref<1x128x128xf32, #tpu.memory_space<vmem>> -> memref<128x128xf32, #tpu.memory_space<vmem>>
        %get3A_510 = arith.index_cast %scan3A_310 : i32 to index
        %get3A_511 = arith.constant 112 : index
        %get3A_512 = tpu.vector_load %get3A_509[%get3A_510, %get3A_511] {strides = array<i32>} : memref<128x128xf32, #tpu.memory_space<vmem>>, vector<1x16xf32>,
        %get3A_513 = vector.shape_cast %get3A_512 : vector<1x16xf32> to vector<16xf32>
        %mul3A_514 = arith.mulf %get3A_43, %get3A_513 : vector<16xf32>
        %get3A_515 = arith.constant 0 : i32
        %get3A_516 = arith.constant 0 : i32
        %get3A_517 = tpu.memref_slice %arg12[%scan3A_275, %get3A_515, %get3A_516] : memref<2x128x128xf32, #tpu.memory_space<vmem>> -> memref<1x128x128xf32, #tpu.memory_space<vmem>>
        %get3A_518 = tpu.memref_squeeze %get3A_517 : memref<1x128x128xf32, #tpu.memory_space<vmem>> -> memref<128x128xf32, #tpu.memory_space<vmem>>
        %get3A_519 = arith.index_cast %scan3A_310 : i32 to index
        %get3A_520 = arith.constant 112 : index
        %get3A_521 = tpu.vector_load %get3A_518[%get3A_519, %get3A_520] {strides = array<i32>} : memref<128x128xf32, #tpu.memory_space<vmem>>, vector<1x16xf32>,
        %get3A_522 = vector.shape_cast %get3A_521 : vector<1x16xf32> to vector<16xf32>
        %mul3A_523 = arith.mulf %get3A_67, %get3A_522 : vector<16xf32>
        %add3A_524 = arith.addf %mul3A_514, %mul3A_523 : vector<16xf32>
        %swap3A_525 = arith.constant 0 : i32
        %swap3A_526 = arith.constant 0 : i32
        %swap3A_527 = tpu.memref_slice %arg13[%scan3A_276, %swap3A_525, %swap3A_526] : memref<2x128x128xf32, #tpu.memory_space<vmem>> -> memref<1x128x128xf32, #tpu.memory_space<vmem>>
        %swap3A_528 = tpu.memref_squeeze %swap3A_527 : memref<1x128x128xf32, #tpu.memory_space<vmem>> -> memref<128x128xf32, #tpu.memory_space<vmem>>
        %swap3A_529 = arith.index_cast %scan3A_310 : i32 to index
        %swap3A_530 = arith.constant 112 : index
        %swap3A_531 = tpu.vector_load %swap3A_528[%swap3A_529, %swap3A_530] {strides = array<i32>} : memref<128x128xf32, #tpu.memory_space<vmem>>, vector<1x16xf32>,
        %swap3A_532 = vector.shape_cast %swap3A_531 : vector<1x16xf32> to vector<16xf32>
        %swap3A_533 = vector.shape_cast %add3A_524 : vector<16xf32> to vector<1x16xf32>
        tpu.vector_store %swap3A_528[%swap3A_529, %swap3A_530], %swap3A_533 {strides = array<i32>} : memref<128x128xf32, #tpu.memory_space<vmem>>, vector<1x16xf32>,
      }
      %scan3A_281 = arith.constant 128 : i32
      %ge3A_282 = arith.constant 2 : i32
      %ge3A_283 = arith.cmpi sge, %add3A_240, %ge3A_282 : i32
      %convert_element_type3A_284 = arith.extui %ge3A_283 : i1 to i32
      %cond3A_285 = arith.constant 0 : i32
      %cond3A_286 = arith.cmpi ne, %convert_element_type3A_284, %cond3A_285 : i32
      scf.if %cond3A_286 {
        %dma_wait3A_310 = arith.constant 1 : i32
        %dma_wait3A_311 = arith.constant 1 : i32
        %dma_wait3A_312 = arith.constant 0 : i32
        %dma_wait3A_313 = arith.constant 0 : i32
        %dma_wait3A_314 = tpu.memref_slice %arg13[%dma_wait3A_310, %dma_wait3A_312, %dma_wait3A_313] : memref<2x128x128xf32, #tpu.memory_space<vmem>> -> memref<1x128x128xf32, #tpu.memory_space<vmem>>
        %dma_wait3A_315 = tpu.memref_squeeze %dma_wait3A_314 : memref<1x128x128xf32, #tpu.memory_space<vmem>> -> memref<128x128xf32, #tpu.memory_space<vmem>>
        %dma_wait3A_316 = arith.constant 0 : i32
        %dma_wait3A_317 = tpu.memref_slice %arg7[%dma_wait3A_316, %mul3A_2] : memref<16384x4096xf32, #tpu.memory_space<hbm>> -> memref<128x128xf32, #tpu.memory_space<hbm>>
        %dma_wait3A_318 = tpu.memref_slice %arg15[%dma_wait3A_311] : memref<2x!tpu.dma_semaphore, #tpu.memory_space<semaphore_mem>> -> memref<1x!tpu.dma_semaphore, #tpu.memory_space<semaphore_mem>>
        %dma_wait3A_319 = tpu.memref_squeeze %dma_wait3A_318 : memref<1x!tpu.dma_semaphore, #tpu.memory_space<semaphore_mem>> -> memref<!tpu.dma_semaphore, #tpu.memory_space<semaphore_mem>>
        %dma_wait3A_320 = arith.constant 0 : i32
        %dma_wait3A_321 = tpu.memref_slice %arg7[%dma_wait3A_320, %mul3A_2] : memref<16384x4096xf32, #tpu.memory_space<hbm>> -> memref<128x128xf32, #tpu.memory_space<hbm>>
        %dma_wait3A_322 = arith.constant 0 : i32
        %dma_wait3A_323 = arith.constant 0 : i32
        %dma_wait3A_324 = tpu.memref_slice %arg13[%dma_wait3A_310, %dma_wait3A_322, %dma_wait3A_323] : memref<2x128x128xf32, #tpu.memory_space<vmem>> -> memref<1x128x128xf32, #tpu.memory_space<vmem>>
        %dma_wait3A_325 = tpu.memref_squeeze %dma_wait3A_324 : memref<1x128x128xf32, #tpu.memory_space<vmem>> -> memref<128x128xf32, #tpu.memory_space<vmem>>
        tpu.wait_dma2 semaphore(%dma_wait3A_319 : memref<!tpu.dma_semaphore, #tpu.memory_space<semaphore_mem>>) src(%dma_wait3A_325 : memref<128x128xf32, #tpu.memory_space<vmem>>) dst(%dma_wait3A_321 : memref<128x128xf32, #tpu.memory_space<hbm>>)
      } else {
      }
      %mul3A_287 = arith.constant 128 : i32
      %mul3A_288 = arith.muli %add3A_240, %mul3A_287 : i32
      %dma_start3A_289 = arith.constant 1 : i32
      %dma_start3A_290 = arith.constant 1 : i32
      %dma_start3A_291 = arith.constant 0 : i32
      %dma_start3A_292 = arith.constant 0 : i32
      %dma_start3A_293 = tpu.memref_slice %arg13[%dma_start3A_289, %dma_start3A_291, %dma_start3A_292] : memref<2x128x128xf32, #tpu.memory_space<vmem>> -> memref<1x128x128xf32, #tpu.memory_space<vmem>>
      %dma_start3A_294 = tpu.memref_squeeze %dma_start3A_293 : memref<1x128x128xf32, #tpu.memory_space<vmem>> -> memref<128x128xf32, #tpu.memory_space<vmem>>
      %dma_start3A_295 = tpu.memref_slice %arg7[%mul3A_288, %mul3A_2] : memref<16384x4096xf32, #tpu.memory_space<hbm>> -> memref<128x128xf32, #tpu.memory_space<hbm>>
      %dma_start3A_296 = tpu.memref_slice %arg15[%dma_start3A_290] : memref<2x!tpu.dma_semaphore, #tpu.memory_space<semaphore_mem>> -> memref<1x!tpu.dma_semaphore, #tpu.memory_space<semaphore_mem>>
      %dma_start3A_297 = tpu.memref_squeeze %dma_start3A_296 : memref<1x!tpu.dma_semaphore, #tpu.memory_space<semaphore_mem>> -> memref<!tpu.dma_semaphore, #tpu.memory_space<semaphore_mem>>
      %dma_start3A_298 = tpu.memref_slice %arg7[%mul3A_288, %mul3A_2] : memref<16384x4096xf32, #tpu.memory_space<hbm>> -> memref<128x128xf32, #tpu.memory_space<hbm>>
      %dma_start3A_299 = arith.constant 0 : i32
      %dma_start3A_300 = arith.constant 0 : i32
      %dma_start3A_301 = tpu.memref_slice %arg13[%dma_start3A_289, %dma_start3A_299, %dma_start3A_300] : memref<2x128x128xf32, #tpu.memory_space<vmem>> -> memref<1x128x128xf32, #tpu.memory_space<vmem>>
      %dma_start3A_302 = tpu.memref_squeeze %dma_start3A_301 : memref<1x128x128xf32, #tpu.memory_space<vmem>> -> memref<128x128xf32, #tpu.memory_space<vmem>>
      tpu.enqueue_dma source(%dma_start3A_302 : memref<128x128xf32, #tpu.memory_space<vmem>>) target(%dma_start3A_298 : memref<128x128xf32, #tpu.memory_space<hbm>>) target_semaphore(%dma_start3A_297 : memref<!tpu.dma_semaphore, #tpu.memory_space<semaphore_mem>>)
      %add3A_303 = arith.constant 2 : i32
      %add3A_304 = arith.addi %add3A_240, %add3A_303 : i32
      %lt3A_305 = arith.constant 128 : i32
      %lt3A_306 = arith.cmpi slt, %add3A_304, %lt3A_305 : i32
      %convert_element_type3A_307 = arith.extui %lt3A_306 : i1 to i32
      %cond3A_308 = arith.constant 0 : i32
      %cond3A_309 = arith.cmpi ne, %convert_element_type3A_307, %cond3A_308 : i32
      scf.if %cond3A_309 {
        %add3A_310 = arith.constant 2 : i32
        %add3A_311 = arith.addi %add3A_240, %add3A_310 : i32
        %mul3A_312 = arith.constant 128 : i32
        %mul3A_313 = arith.muli %add3A_311, %mul3A_312 : i32
        %dma_start3A_314 = arith.constant 1 : i32
        %dma_start3A_315 = arith.constant 1 : i32
        %dma_start3A_316 = arith.constant 0 : i32
        %dma_start3A_317 = arith.constant 0 : i32
        %dma_start3A_318 = tpu.memref_slice %arg11[%dma_start3A_314, %dma_start3A_316, %dma_start3A_317] : memref<2x128x128xf32, #tpu.memory_space<vmem>> -> memref<1x128x128xf32, #tpu.memory_space<vmem>>
        %dma_start3A_319 = tpu.memref_squeeze %dma_start3A_318 : memref<1x128x128xf32, #tpu.memory_space<vmem>> -> memref<128x128xf32, #tpu.memory_space<vmem>>
        %dma_start3A_320 = tpu.memref_slice %arg5[%mul3A_313, %mul3A_2] : memref<16384x4096xf32, #tpu.memory_space<hbm>> -> memref<128x128xf32, #tpu.memory_space<hbm>>
        %dma_start3A_321 = tpu.memref_slice %arg14[%dma_start3A_315] : memref<2x!tpu.dma_semaphore, #tpu.memory_space<semaphore_mem>> -> memref<1x!tpu.dma_semaphore, #tpu.memory_space<semaphore_mem>>
        %dma_start3A_322 = tpu.memref_squeeze %dma_start3A_321 : memref<1x!tpu.dma_semaphore, #tpu.memory_space<semaphore_mem>> -> memref<!tpu.dma_semaphore, #tpu.memory_space<semaphore_mem>>
        %dma_start3A_323 = arith.constant 0 : i32
        %dma_start3A_324 = arith.constant 0 : i32
        %dma_start3A_325 = tpu.memref_slice %arg11[%dma_start3A_314, %dma_start3A_323, %dma_start3A_324] : memref<2x128x128xf32, #tpu.memory_space<vmem>> -> memref<1x128x128xf32, #tpu.memory_space<vmem>>
        %dma_start3A_326 = tpu.memref_squeeze %dma_start3A_325 : memref<1x128x128xf32, #tpu.memory_space<vmem>> -> memref<128x128xf32, #tpu.memory_space<vmem>>
        %dma_start3A_327 = tpu.memref_slice %arg5[%mul3A_313, %mul3A_2] : memref<16384x4096xf32, #tpu.memory_space<hbm>> -> memref<128x128xf32, #tpu.memory_space<hbm>>
        tpu.enqueue_dma source(%dma_start3A_327 : memref<128x128xf32, #tpu.memory_space<hbm>>) target(%dma_start3A_326 : memref<128x128xf32, #tpu.memory_space<vmem>>) target_semaphore(%dma_start3A_322 : memref<!tpu.dma_semaphore, #tpu.memory_space<semaphore_mem>>)
        %dma_start3A_328 = arith.constant 1 : i32
        %dma_start3A_329 = arith.constant 1 : i32
        %dma_start3A_330 = arith.constant 0 : i32
        %dma_start3A_331 = arith.constant 0 : i32
        %dma_start3A_332 = tpu.memref_slice %arg12[%dma_start3A_328, %dma_start3A_330, %dma_start3A_331] : memref<2x128x128xf32, #tpu.memory_space<vmem>> -> memref<1x128x128xf32, #tpu.memory_space<vmem>>
        %dma_start3A_333 = tpu.memref_squeeze %dma_start3A_332 : memref<1x128x128xf32, #tpu.memory_space<vmem>> -> memref<128x128xf32, #tpu.memory_space<vmem>>
        %dma_start3A_334 = tpu.memref_slice %arg6[%mul3A_313, %mul3A_2] : memref<16384x4096xf32, #tpu.memory_space<hbm>> -> memref<128x128xf32, #tpu.memory_space<hbm>>
        %dma_start3A_335 = tpu.memref_slice %arg14[%dma_start3A_329] : memref<2x!tpu.dma_semaphore, #tpu.memory_space<semaphore_mem>> -> memref<1x!tpu.dma_semaphore, #tpu.memory_space<semaphore_mem>>
        %dma_start3A_336 = tpu.memref_squeeze %dma_start3A_335 : memref<1x!tpu.dma_semaphore, #tpu.memory_space<semaphore_mem>> -> memref<!tpu.dma_semaphore, #tpu.memory_space<semaphore_mem>>
        %dma_start3A_337 = arith.constant 0 : i32
        %dma_start3A_338 = arith.constant 0 : i32
        %dma_start3A_339 = tpu.memref_slice %arg12[%dma_start3A_328, %dma_start3A_337, %dma_start3A_338] : memref<2x128x128xf32, #tpu.memory_space<vmem>> -> memref<1x128x128xf32, #tpu.memory_space<vmem>>
        %dma_start3A_340 = tpu.memref_squeeze %dma_start3A_339 : memref<1x128x128xf32, #tpu.memory_space<vmem>> -> memref<128x128xf32, #tpu.memory_space<vmem>>
        %dma_start3A_341 = tpu.memref_slice %arg6[%mul3A_313, %mul3A_2] : memref<16384x4096xf32, #tpu.memory_space<hbm>> -> memref<128x128xf32, #tpu.memory_space<hbm>>
        tpu.enqueue_dma source(%dma_start3A_341 : memref<128x128xf32, #tpu.memory_space<hbm>>) target(%dma_start3A_340 : memref<128x128xf32, #tpu.memory_space<vmem>>) target_semaphore(%dma_start3A_336 : memref<!tpu.dma_semaphore, #tpu.memory_space<semaphore_mem>>)
      } else {
      }
    }
    %scan3A_136 = arith.constant 64 : i32
    %dma_wait3A_137 = arith.constant 0 : i32
    %dma_wait3A_138 = arith.constant 0 : i32
    %dma_wait3A_139 = arith.constant 0 : i32
    %dma_wait3A_140 = arith.constant 0 : i32
    %dma_wait3A_141 = tpu.memref_slice %arg13[%dma_wait3A_137, %dma_wait3A_139, %dma_wait3A_140] : memref<2x128x128xf32, #tpu.memory_space<vmem>> -> memref<1x128x128xf32, #tpu.memory_space<vmem>>
    %dma_wait3A_142 = tpu.memref_squeeze %dma_wait3A_141 : memref<1x128x128xf32, #tpu.memory_space<vmem>> -> memref<128x128xf32, #tpu.memory_space<vmem>>
    %dma_wait3A_143 = arith.constant 0 : i32
    %dma_wait3A_144 = tpu.memref_slice %arg7[%dma_wait3A_143, %mul3A_2] : memref<16384x4096xf32, #tpu.memory_space<hbm>> -> memref<128x128xf32, #tpu.memory_space<hbm>>
    %dma_wait3A_145 = tpu.memref_slice %arg15[%dma_wait3A_138] : memref<2x!tpu.dma_semaphore, #tpu.memory_space<semaphore_mem>> -> memref<1x!tpu.dma_semaphore, #tpu.memory_space<semaphore_mem>>
    %dma_wait3A_146 = tpu.memref_squeeze %dma_wait3A_145 : memref<1x!tpu.dma_semaphore, #tpu.memory_space<semaphore_mem>> -> memref<!tpu.dma_semaphore, #tpu.memory_space<semaphore_mem>>
    %dma_wait3A_147 = arith.constant 0 : i32
    %dma_wait3A_148 = tpu.memref_slice %arg7[%dma_wait3A_147, %mul3A_2] : memref<16384x4096xf32, #tpu.memory_space<hbm>> -> memref<128x128xf32, #tpu.memory_space<hbm>>
    %dma_wait3A_149 = arith.constant 0 : i32
    %dma_wait3A_150 = arith.constant 0 : i32
    %dma_wait3A_151 = tpu.memref_slice %arg13[%dma_wait3A_137, %dma_wait3A_149, %dma_wait3A_150] : memref<2x128x128xf32, #tpu.memory_space<vmem>> -> memref<1x128x128xf32, #tpu.memory_space<vmem>>
    %dma_wait3A_152 = tpu.memref_squeeze %dma_wait3A_151 : memref<1x128x128xf32, #tpu.memory_space<vmem>> -> memref<128x128xf32, #tpu.memory_space<vmem>>
    tpu.wait_dma2 semaphore(%dma_wait3A_146 : memref<!tpu.dma_semaphore, #tpu.memory_space<semaphore_mem>>) src(%dma_wait3A_152 : memref<128x128xf32, #tpu.memory_space<vmem>>) dst(%dma_wait3A_148 : memref<128x128xf32, #tpu.memory_space<hbm>>)
    %dma_wait3A_153 = arith.constant 1 : i32
    %dma_wait3A_154 = arith.constant 1 : i32
    %dma_wait3A_155 = arith.constant 0 : i32
    %dma_wait3A_156 = arith.constant 0 : i32
    %dma_wait3A_157 = tpu.memref_slice %arg13[%dma_wait3A_153, %dma_wait3A_155, %dma_wait3A_156] : memref<2x128x128xf32, #tpu.memory_space<vmem>> -> memref<1x128x128xf32, #tpu.memory_space<vmem>>
    %dma_wait3A_158 = tpu.memref_squeeze %dma_wait3A_157 : memref<1x128x128xf32, #tpu.memory_space<vmem>> -> memref<128x128xf32, #tpu.memory_space<vmem>>
    %dma_wait3A_159 = arith.constant 0 : i32
    %dma_wait3A_160 = tpu.memref_slice %arg7[%dma_wait3A_159, %mul3A_2] : memref<16384x4096xf32, #tpu.memory_space<hbm>> -> memref<128x128xf32, #tpu.memory_space<hbm>>
    %dma_wait3A_161 = tpu.memref_slice %arg15[%dma_wait3A_154] : memref<2x!tpu.dma_semaphore, #tpu.memory_space<semaphore_mem>> -> memref<1x!tpu.dma_semaphore, #tpu.memory_space<semaphore_mem>>
    %dma_wait3A_162 = tpu.memref_squeeze %dma_wait3A_161 : memref<1x!tpu.dma_semaphore, #tpu.memory_space<semaphore_mem>> -> memref<!tpu.dma_semaphore, #tpu.memory_space<semaphore_mem>>
    %dma_wait3A_163 = arith.constant 0 : i32
    %dma_wait3A_164 = tpu.memref_slice %arg7[%dma_wait3A_163, %mul3A_2] : memref<16384x4096xf32, #tpu.memory_space<hbm>> -> memref<128x128xf32, #tpu.memory_space<hbm>>
    %dma_wait3A_165 = arith.constant 0 : i32
    %dma_wait3A_166 = arith.constant 0 : i32
    %dma_wait3A_167 = tpu.memref_slice %arg13[%dma_wait3A_153, %dma_wait3A_165, %dma_wait3A_166] : memref<2x128x128xf32, #tpu.memory_space<vmem>> -> memref<1x128x128xf32, #tpu.memory_space<vmem>>
    %dma_wait3A_168 = tpu.memref_squeeze %dma_wait3A_167 : memref<1x128x128xf32, #tpu.memory_space<vmem>> -> memref<128x128xf32, #tpu.memory_space<vmem>>
    tpu.wait_dma2 semaphore(%dma_wait3A_162 : memref<!tpu.dma_semaphore, #tpu.memory_space<semaphore_mem>>) src(%dma_wait3A_168 : memref<128x128xf32, #tpu.memory_space<vmem>>) dst(%dma_wait3A_164 : memref<128x128xf32, #tpu.memory_space<hbm>>)
    return
  }
}

</mosaic_0001>

<sc_bundles>
// kernel: kernel.3.cloned.1.call-start
scs
__scs_entry_jumppad:
0x0: {  	(pc) =	sbr.rel $0x88, $3  }
0x1: {  	(tag) =	ssettag $0x0;
	lr =	simm.s32 $0x1  }
0x2: {  	[smem:$0x3F9C] =	sst lr;
	_ =	strace $0xD0000000  }
0x3: {  	_ = 	snop  }
0x4: {  	_ = 	snop  }
0x5: {  	_ = 	snop  }
0x6: {  	_ = 	snop  }
0x7: {  	_ = 	snop  }
__scs_overlays_trampoline_lowered:
0x8: {  	[smem:$0x3FAB] =	sst s0  }
0x9: {  	[smem:$0x3FAC] =	sst s1  }
0xa: {  	[smem:$0x3FAD] =	sst s2  }
0xb: {  	[smem:$0x3FAE] =	sst s3  }
0xc: {  	[smem:$0x3FAF] =	sst s4  }
0xd: {  	[smem:$0x3FB0] =	sst s5  }
0xe: {  	[smem:$0x3FB1] =	sst s6  }
0xf: {  	[smem:$0x3FB2] =	sst s7  }
0x10: {  	[smem:$0x3FB3] =	sst s8  }
0x11: {  	[smem:$0x3FB4] =	sst s9;
	s0 =	simm.s32 @!p0 $0x0  }
0x12: {  	s1 =	sld [smem:$0x3F9A];
	s0 =	simm.s32 @p0 $0x1  }
0x13: {  	[smem:$0x3FB5] =	sst s0;
	s0 =	simm.s32 @!p1 $0x0  }
0x14: {  	s2 =	sld [smem:$0x3F99];
	s0 =	simm.s32 @p1 $0x1  }
0x15: {  	[smem:$0x3FB6] =	sst s0;
	s0 =	simm.s32 @!p2 $0x0  }
0x16: {  	s3 =	sld [smem:$0x3FDB];
	s0 =	simm.s32 @p2 $0x1  }
0x17: {  	s4 =	simm.s32 $0x1BF5;
	[smem:$0x3FB8] =	sst s0  }
0x18: {  	s0 =	sld [smem:$0x3F9B];
	_ =	swait.ge [sflag:s4], $0x0  }
0x19: {  	s7 =	sld [smem:$0x3F9C]  }
0x1a: {  	s8 =	sadd.s32 $0xFFFFE003, lr  }
0x1b: {  	s9 =	sadd.s32 $0xFFFFFEF7, lr;
	s5 =	simm.s32 $0xFFFFFFFF;
	p2 =	slt.u32 s8, $0xFFFFF086  }
0x1c: {  	p1 =	slt.u32 s9, $0xF7A;
	s5 =	simm.s32 @!p2 $0x0  }
0x1d: {  	s5 =	simm.s32 @p1 $0x1;
	p0 =	seq.s32 s7, s2  }
0x1e: {  	s7 =	smul.u32 @!p0 $0xF7A, s2;
	p2 =	seq.s32 @!p0 s5, $0x0  }
0x1f: {  	s9 =	smul.u32 $0xF7A, s1;
	s8 =	simm.s32 @!p0 $0x1BF5;
	p2 =	por !p2, p0  }
0x20: {  	[sflag:s8] =	ssyncset.s32 @!p0 $0xFFFFF086;
	s6 =	sadd.s32 @!p0 s3, s7;
	s7 =	simm.s32 @!p0 $0x108  }
0x21: {  	s3 =	sadd.s32 s3, s9;
	s6 =	sadd.s32 @!p0 $0x88, s6;
	s7 =	simm.s32 @p2 $0x1082  }
0x22: {  	[simem:s7], [sflag:s8] =	dma.local @!p0 [hbm:s6], $0xF7A  }
0x23: {  	s9 =	sor.u32 $0xD0000000, s2;
	s6 =	simm.s32 $0x108;
	_ =	swait.ge @!p0 [sflag:s8], $0x0  }
0x24: {  	s3 =	sadd.s32 $0x88, s3;
	s6 =	simm.s32 @!p1 $0x1082;
	[sflag:s4] =	ssyncset.s32 $0xFFFFF086  }
0x25: {  	[simem:s6], [sflag:s4] =	dma.local [hbm:s3], $0xF7A  }
0x26: {  	[smem:$0x3F9C] =	sst s1;
	(tag) =	ssettag s2;
	_ =	strace s9  }
0x27: {  	s1 =	sld [smem:$0x3FAC]  }
0x28: {  	s2 =	sld [smem:$0x3FAD]  }
0x29: {  	s4 =	sld [smem:$0x3FAF]  }
0x2a: {  	p0 =	seq.s32 s5, $0x0;
	s5 =	sld [smem:$0x3FB0]  }
0x2b: {  	s6 =	sld [smem:$0x3FB1]  }
0x2c: {  	s7 =	sld [smem:$0x3FB2]  }
0x2d: {  	s3 =	simm.s32 $0x108;
	s8 =	sld [smem:$0x3FB3]  }
0x2e: {  	s3 =	simm.s32 @!p0 $0x1082;
	s9 =	sld [smem:$0x3FB4]  }
0x2f: {  	lr =	sadd.s32 s0, s3;
	s0 =	sld [smem:$0x3FAB]  }
0x30: {  	s3 =	sld [smem:$0x3FAE]  }
0x31: {  	[smem:$0x3FB7] =	sst s10  }
0x32: {  	s10 =	sld [smem:$0x3FB5];
	_ =	sdelay $0x3  }
0x33: {  	p0 =	seq.s32 s10, $0x1;
	s10 =	sld [smem:$0x3FB7];
	_ =	sdelay $0x3  }
0x34: {  	[smem:$0x3FB7] =	sst s10  }
0x35: {  	s10 =	sld [smem:$0x3FB6];
	_ =	sdelay $0x3  }
0x36: {  	p1 =	seq.s32 s10, $0x1;
	s10 =	sld [smem:$0x3FB7];
	_ =	sdelay $0x3  }
0x37: {  	[smem:$0x3FB7] =	sst s10  }
0x38: {  	s10 =	sld [smem:$0x3FB8]  }
0x39: {  	_ = 	snop;
	(pc) =	sbr.ind lr, $3  }
0x3a: {  	_ = 	snop  }
0x3b: {  	_ = 	snop  }
0x3c: {  	p2 =	seq.s32 s10, $0x1;
	s10 =	sld [smem:$0x3FB7]  }
0x3d: {  	_ =	shalt  }
0x3e: {  	_ =	shalt  }
0x3f: {  	_ =	shalt  }
0x40: {  	_ =	shalt  }
0x41: {  	_ =	shalt  }
0x42: {  	_ =	shalt  }
0x43: {  	_ =	shalt  }
0x44: {  	_ =	shalt  }
0x45: {  	_ =	shalt  }
0x46: {  	_ =	shalt  }
0x47: {  	_ =	shalt  }
0x48: {  	_ =	shalt  }
0x49: {  	_ =	shalt  }
0x4a: {  	_ =	shalt  }
0x4b: {  	_ =	shalt  }
0x4c: {  	_ =	shalt  }
0x4d: {  	_ =	shalt  }
0x4e: {  	_ =	shalt  }
0x4f: {  	_ =	shalt  }
0x50: {  	_ =	shalt  }
0x51: {  	_ =	shalt  }
0x52: {  	_ =	shalt  }
0x53: {  	_ =	shalt  }
0x54: {  	_ =	shalt  }
0x55: {  	_ =	shalt  }
0x56: {  	_ =	shalt  }
0x57: {  	_ =	shalt  }
0x58: {  	_ =	shalt  }
0x59: {  	_ =	shalt  }
0x5a: {  	_ =	shalt  }
0x5b: {  	_ =	shalt  }
0x5c: {  	_ =	shalt  }
0x5d: {  	_ =	shalt  }
0x5e: {  	_ =	shalt  }
0x5f: {  	_ =	shalt  }
0x60: {  	_ =	shalt  }
0x61: {  	_ =	shalt  }
0x62: {  	_ =	shalt  }
0x63: {  	_ =	shalt  }
0x64: {  	_ =	shalt  }
0x65: {  	_ =	shalt  }
0x66: {  	_ =	shalt  }
0x67: {  	_ =	shalt  }
0x68: {  	_ =	shalt  }
0x69: {  	_ =	shalt  }
0x6a: {  	_ =	shalt  }
0x6b: {  	_ =	shalt  }
0x6c: {  	_ =	shalt  }
0x6d: {  	_ =	shalt  }
0x6e: {  	_ =	shalt  }
0x6f: {  	_ =	shalt  }
0x70: {  	_ =	shalt  }
0x71: {  	_ =	shalt  }
0x72: {  	_ =	shalt  }
0x73: {  	_ =	shalt  }
0x74: {  	_ =	shalt  }
0x75: {  	_ =	shalt  }
0x76: {  	_ =	shalt  }
0x77: {  	_ =	shalt  }
0x78: {  	_ =	shalt  }
0x79: {  	_ =	shalt  }
0x7a: {  	_ =	shalt  }
0x7b: {  	_ =	shalt  }
0x7c: {  	_ =	shalt  }
0x7d: {  	_ =	shalt  }
0x7e: {  	_ =	shalt  }
0x7f: {  	_ =	shalt  }
0x80: {  	_ =	shalt  }
0x81: {  	_ =	shalt  }
0x82: {  	_ =	shalt  }
0x83: {  	_ =	shalt  }
0x84: {  	_ =	shalt  }
0x85: {  	_ =	shalt  }
0x86: {  	_ =	shalt  }
0x87: {  	_ =	shalt  }
.Lfunc_end0:
.L_simem_size_0:
called_computation_lowered:
.L_overlay_start_0:
0x88: {  	s2 =	sld [smem:$0x3FD9]  }
0x89: {  	s3 =	sld [smem:$0x3FFE];
	_ =	sdelay $0x1  }
0x8a: {  	s1 =	srdreg.scid  }
0x8b: {  	s0 =	sand.u32 $0x1, s1  }
0x8c: {  	s17 =	sshll.u32 s0, $0xA;
	s2 =	sadd.s32 s3, s2  }
0x8d: {  	s2 =	sadd.s32 s2, s17  }
0x8e: {  	[smem:$0x3FC3] =	sst s2  }
0x8f: {  	_ = 	snop  }
0x90: {  	s2 =	sld [smem:$0x3FC9]  }
0x91: {  	s18 =	sld [smem:$0x3FC8]  }
0x92: {  	s4 =	sld [smem:$0x3FC7]  }
0x93: {  	s5 =	sld [smem:$0x3FD0];
	(tm) =	ssettm $0x1  }
0x94: {  	s6 =	sld [smem:$0x3FFB];
	_ =	sdelay $0x3  }
0x95: {  	_ =	strace s6  }
0x96: {  	s6 =	sld [smem:$0x3FFC];
	_ =	sdelay $0x3  }
0x97: {  	_ =	strace s6  }
0x98: {  	s6 =	sld [smem:$0x3FFD];
	_ =	sdelay $0x3  }
0x99: {  	_ =	strace s6  }
0x9a: {  	_ =	strace $0x8FFFFFFF  }
0x9b: {  	s19 =	sld [smem:$0x3FDB];
	_ =	sdelay $0x1  }
0x9c: {  	s7 =	simm.s32 $_scs_section_size  }
0x9d: {  	s8 =	simm.s32 $_size__tile_overlayer_lowered;
	s9 =	simm.s32 $_tile_overlayer_lowered  }
0x9e: {  	s22 =	simm.s32 $0x1BFF;
	s21 =	sshll.u32 s9, $0x1;
	s6 =	sadd.s32 s7, s19  }
0x9f: {  	s10 =	simm.s32 $0x0;
	s20 =	sshll.u32 s8, $0x1;
	s8 =	sadd.s32 s21, s6  }
0xa0: {  	[timem:s10], [sflag:s22] =	dma.local [hbm:s8], s20  }
0xa1: {  	_ =	swait.ge [sflag:s22], s20  }
0xa2: {  	s7 =	ssub.s32 $0x0, s20;
	[sflag:s22] =	ssyncset.done $0x0  }
0xa3: {  	[sflag:s22] =	ssyncadd.s32 s7;
	_ =	sdelay $0x1  }
0xa4: {  	s23 =	simm.s32 $0x1B8B  }
0xa5: {  	_ =	swait.ge [sflag:s23], $0x1  }
0xa6: {  	[sflag:s23] =	ssyncset.done $0x0  }
0xa7: {  	s25 =	simm.s32 $0x1B8E;
	s24 =	sld [smem:$0x3FFE];
	[sflag:s23] =	ssyncadd.s32 $0xFFFFFFFF  }
0xa8: {  	s26 =	simm.s32 $execute0_lowered;
	[smem:$0x3FD2] =	sst s25  }
0xa9: {  	s8 =	sshll.u32 s26, $0x1;
	_ =	strace $0x80000046;
	[dreg:$0x1] =	wrdreg $0xFFFFFFFF  }
0xaa: {  	s28 =	simm.s32 $_size_execute0_lowered;
	s6 =	sadd.s32 s6, s8;
	[dreg:$0x0] =	wrdreg $0x0  }
0xab: {  	s8 =	sshll.u32 s28, $0x1;
	[dreg:$0x2] =	wrdreg s6  }
0xac: {  	[dreg:$0x3] =	wrdreg s8  }
0xad: {  	[dreg:$0x4] =	wrdreg $0xC0  }
0xae: {  	_ =	task [dreg:s10], $0x5FFFF  }
0xaf: {  	[dreg:$0x1] =	wrdreg $0xFFFFFFFF  }
0xb0: {  	[dreg:$0x0] =	wrdreg $0x60  }
0xb1: {  	[dreg:$0x2] =	wrdreg s4  }
0xb2: {  	[dreg:$0x3] =	wrdreg s24  }
0xb3: {  	[dreg:$0x4] =	wrdreg s2  }
0xb4: {  	[dreg:$0x5] =	wrdreg s18  }
0xb5: {  	[dreg:$0x6] =	wrdreg s5  }
0xb6: {  	[dreg:$0x7] =	wrdreg $0x9  }
0xb7: {  	_ =	task.clear_ibuf [dreg:s10], $0x8FFFF;
	_ =	strace $0x90000046  }
0xb8: {  	s29 =	simm.s32 $0x9;
	_ =	strace $0x80000048  }
0xb9: {  	_ =	swait.ge [sflag:s29], $0x1  }
0xba: {  	[sflag:s29] =	ssyncadd.s32 $0xFFFFFFFF  }
0xbb: {  	_ =	strace $0x90000048  }
0xbc: {  	_ =	sfence  }
0xbd: {  	s30 =	sld [smem:$0x0];
	_ =	sdelay $0x2  }
0xbe: {  	s31 =	sshll.u32 s1, $0xD;
	s1 =	sshrl.u32 s1, $0x2  }
0xbf: {  	s3 =	sand.u32 $0x4000, s31;
	s1 =	sadd.s32 s1, s30  }
0xc0: {  	s0 =	sor.u32 s3, s0;
	s1 =	sshll.u32 s1, $0x11  }
0xc1: {  	s0 =	sor.u32 s1, s0  }
0xc2: {  	s0 =	sadd.s32 $0x8F2B, s0  }
0xc3: {  	[sflag:s0] =	ssyncadd.remote.s32 $0x1  }
0xc4: {  	_ =	sfence.sel $0xFFFF  }
0xc5: {  	[dreg:$0x0] =	wrdreg $0xFFFFFFFF;
	(pc) =	sbr.abs _section_cstart, $3  }
0xc6: {  	[dreg:$0x1] =	wrdreg $0xFFFFFFFF  }
0xc7: {  	_ =	task.clear_ibuf [dreg:s10], $0x2FFFF;
	_ =	strace $0x9FFFFFFF  }
0xc8: {  	(tm) =	ssettm $0x7FFFFFFF  }
0xc9: {  	_ =	shalt  }
tec
execute0_lowered:
.L_overlay_start_1:
0x0: {  	(tag) =	ssettag $0x1  }
0x1: {  	s0 =	rddreg [dreg:$0x0]  }
0x2: {  	s4 =	rddreg [dreg:$0x1]  }
0x3: {  	s1 =	rddreg [dreg:$0x2]  }
0x4: {  	s2 =	rddreg [dreg:$0x3]  }
0x5: {  	s3 =	rddreg [dreg:$0x4];
	s5 =	simm.s32 $0x0;
	s19 =	srdreg.scid  }
0x6: {  	s7 =	stileid.u32;
	s18 =	simm.s32 $0x100;
	s28 =	simm.s32 $0xC180  }
0x7: {  	s29 =	simm.s32 $0x10180;
	s30 =	simm.s32 $0x2;
	s31 =	simm.s32 $0x14180  }
0x8: {  	[smem:$0x7FF] =	sst s5;
	s5 =	sand.u32 $0x1, s19;
	s6 =	sadd.s32 $0x400, s4  }
0x9: {  	s7 =	sshll.u32 s7, $0x1;
	s4 =	sadd.s32 $0x600, s4;
	s16 =	sadd.s32 $0x10000, s3  }
0xa: {  	s19 =	simm.s32 $0x5;
	_ =	strace $0x80000047;
	[dreg:$0x6] =	wrdreg s6  }
0xb: {  	s20 =	ssub.s32 $0x2, s5;
	[dreg:$0x7] =	wrdreg s4;
	s5 =	sor.u32 s5, s7  }
0xc: {  	s21 =	sshrl.u32 s20, $0x1;
	s22 =	sshll.u32 s5, $0x4;
	s7 =	sshll.u32 s5, $0x7  }
0xd: {  	s9 =	sshll.u32 s5, $0xA;
	s4 =	ssub.s32 s20, s21;
	s0 =	sadd.s32 s0, s22  }
0xe: {  	s23 =	sor.u32 $0x10000, s7;
	s24 =	sadd.s32 s1, s7;
	s25 =	sadd.s32 s2, s7  }
0xf: {  	s14 =	sor.u32 $0x100000, s9;
	s15 =	sor.u32 $0x180000, s9;
	[dreg:$0x8] =	wrdreg s0  }
.Ltmp0:
0x10: {  	s20 =	simm.s32 $0x80;
	[dreg:$0x9] =	wrdreg s24;
	(pc) =	sbr.rel .LBB2_1-.Ltmp0, $4  }
0x11: {  	s21 =	simm.s32 $0x1;
	s22 =	simm.s32 $0x400;
	[dreg:$0xa] =	wrdreg s25  }
0x12: {  	s26 =	sadd.s32 s1, s23;
	s13 =	sadd.s32 s2, s23;
	s17 =	smax.u32 s4, $0x1  }
0x13: {  	s23 =	simm.s32 $0x8000;
	s0 =	simm.s32 $0x3;
	s4 =	simm.s32 $0x4  }
0x14: {  	s24 =	simm.s32 $0x0;
	[dreg:$0xb] =	wrdreg s26;
	s26 =	simm.s32 $0x4180  }
.LBB2_8:
0x15: {  	s24 =	sadd.s32 $0x1, s24  }
0x16: {  	_ =	swait.ge [sflag:s0], $0x4000;
	p0 =	sne.s32 s24, s17  }
.Ltmp1:
0x17: {  	[sflag:s0] =	ssyncset.done $0x0;
	(pc) =	sbr.rel @!p0 .LBB2_9-.Ltmp1, $4  }
0x18: {  	[sflag:s0] =	ssyncadd.s32 $0xFFFFC000  }
0x19: {  	_ =	swait.ge [sflag:s4], $0x4000  }
0x1a: {  	[sflag:s4] =	ssyncset.done $0x0  }
0x1b: {  	[sflag:s4] =	ssyncadd.s32 $0xFFFFC000  }
.LBB2_1:
0x1c: {  	s5 =	simm.s32 $0x0;
	s6 =	rddreg [dreg:$0x8]  }
0x1d: {  	[tilespmem:s18], [sflag:$0x5] =	stream.linear.gather [hbm4b:s6+s5], $0x80, $0x38;
	[tilespmem:$0x18180] =	vst v63  }
0x1e: {  	_ =	swait.ge [sflag:s19], $0x80  }
0x1f: {  	[sflag:s19] =	ssyncset.done $0x0  }
0x20: {  	s25 =	rddreg [dreg:$0x6];
	[sflag:s19] =	ssyncadd.s32 $0xFFFFFF80  }
0x21: {  	[tilespmem:s5], [sflag:$0x1] =	stream.indirect.gather [hbm4b:s25+s20], $0x1, s18, s20, $0xb8;
	[tilespmem:$0x18180] =	vst v63  }
0x22: {  	_ =	swait.ge [sflag:s21], $0x80  }
0x23: {  	[sflag:s21] =	ssyncset.done $0x0  }
0x24: {  	s7 =	rddreg [dreg:$0x7];
	[sflag:s21] =	ssyncadd.s32 $0xFFFFFF80  }
0x25: {  	[tilespmem:s20], [sflag:$0x1] =	stream.indirect.gather [hbm4b:s7+s20], $0x1, s18, s20, $0xb8;
	[tilespmem:$0x18180] =	vst v63  }
0x26: {  	_ =	swait.ge [sflag:s21], $0x80  }
0x27: {  	[sflag:s21] =	ssyncset.done $0x0  }
0x28: {  	[sflag:s21] =	ssyncadd.s32 $0xFFFFFF80  }
0x29: {  	v0 =	vld [tilespmem:$0x0]  }
0x2a: {  	v1 =	vld [tilespmem:$0x10]  }
0x2b: {  	v2 =	vld [tilespmem:$0x20]  }
0x2c: {  	v3 =	vld [tilespmem:$0x30]  }
0x2d: {  	v4 =	vld [tilespmem:$0x40]  }
0x2e: {  	v5 =	vld [tilespmem:$0x50]  }
0x2f: {  	v6 =	vld [tilespmem:$0x60]  }
0x30: {  	v7 =	vld [tilespmem:$0x70]  }
0x31: {  	v8 =	vld [tilespmem:$0x80]  }
0x32: {  	v9 =	vld [tilespmem:$0x90]  }
0x33: {  	v10 =	vld [tilespmem:$0xA0]  }
0x34: {  	v11 =	vld [tilespmem:$0xB0]  }
0x35: {  	v12 =	vld [tilespmem:$0xC0]  }
0x36: {  	v13 =	vld [tilespmem:$0xD0]  }
0x37: {  	s10 =	simm.s32 $0x180;
	s8 =	rddreg [dreg:$0x9];
	v14 =	vld [tilespmem:$0xE0]  }
0x38: {  	v15 =	vld [tilespmem:$0xF0];
	[tilespmem:s10], [sflag:$0x1] =	stream.strided.gather [hbm4b:s8+s22], $0x4000, s23, s22, $0x38  }
0x39: {  	s12 =	simm.s32 $0x8180;
	s11 =	rddreg [dreg:$0xa]  }
0x3a: {  	[tilespmem:s12], [sflag:$0x1] =	stream.strided.gather [hbm4b:s11+s22], $0x4000, s23, s22, $0x38;
	[tilespmem:$0x18180] =	vst v63  }
0x3b: {  	s25 =	rddreg [dreg:$0xb]  }
0x3c: {  	[tilespmem:s26], [sflag:$0x2] =	stream.strided.gather [hbm4b:s25+s22], $0x4000, s23, s22, $0x38;
	[tilespmem:$0x18180] =	vst v63  }
0x3d: {  	s25 =	simm.s32 $0x0  }
0x3e: {  	[tilespmem:s28], [sflag:$0x2] =	stream.strided.gather [hbm4b:s13+s22], $0x4000, s23, s22, $0x38;
	[tilespmem:$0x18180] =	vst v63  }
.LBB2_2:
0x3f: {  	_ =	swait.ge [sflag:s21], $0x4000  }
0x40: {  	[sflag:s21] =	ssyncset.done $0x0  }
0x41: {  	[sflag:s21] =	ssyncadd.s32 $0xFFFFC000  }
0x42: {  	_ =	swait.ge [sflag:s21], $0x4000  }
0x43: {  	[sflag:s21] =	ssyncset.done $0x0  }
0x44: {  	s5 =	simm.s32 $0x0;
	[sflag:s21] =	ssyncadd.s32 $0xFFFFC000  }
0x45: {  	v16 =	vld [tilespmem:s5+$0x1F0]  }
0x46: {  	v17 =	vld [tilespmem:s5+$0x81F0]  }
0x47: {  	v18 =	vld [tilespmem:s5+$0x180]  }
0x48: {  	v19 =	vld [tilespmem:s5+$0x8180]  }
0x49: {  	v20 =	vld [tilespmem:s5+$0x190]  }
0x4a: {  	v21 =	vld [tilespmem:s5+$0x8190]  }
0x4b: {  	v22 =	vld [tilespmem:s5+$0x1A0]  }
0x4c: {  	v23 =	vld [tilespmem:s5+$0x81A0];
	v16 =	vmul.f32 v16, v7;
	v17 =	vmul.f32 v17, v15  }
0x4d: {  	v24 =	vld [tilespmem:s5+$0x1B0]  }
0x4e: {  	v25 =	vld [tilespmem:s5+$0x81B0];
	v18 =	vmul.f32 v18, v0;
	v19 =	vmul.f32 v19, v8;
	v16 =	vadd.f32 v17, v16  }
0x4f: {  	v26 =	vld [tilespmem:s5+$0x1C0]  }
0x50: {  	v27 =	vld [tilespmem:s5+$0x81C0];
	v17 =	vadd.f32 v19, v18;
	v18 =	vmul.f32 v21, v9;
	[tilespmem:s5+$0x101F0] =	vst v16;
	v16 =	vmul.f32 v20, v1  }
0x51: {  	v19 =	vld [tilespmem:s5+$0x1D0];
	v21 =	vmul.f32 v23, v10;
	v20 =	vmul.f32 v22, v2  }
0x52: {  	[tilespmem:s5+$0x10180] =	vst v17;
	v17 =	vld [tilespmem:s5+$0x81D0];
	v16 =	vadd.f32 v18, v16  }
0x53: {  	v63 =	vmul.f32 v25, v11;
	v22 =	vmul.f32 v24, v3;
	v18 =	vld [tilespmem:s5+$0x1E0];
	v23 =	vadd.f32 v21, v20  }
0x54: {  	s6 =	simm.s32 $0x80;
	v20 =	vld [tilespmem:s5+$0x81E0];
	[tilespmem:s5+$0x10190] =	vst v16  }
0x55: {  	s7 =	simm.s32 $0x400;
	v21 =	vmul.f32 v26, v4;
	v22 =	vadd.f32 v63, v22;
	v16 =	vld [tilespmem:s6+$0x1F0];
	[tilespmem:s5+$0x101A0] =	vst v23;
	v23 =	vmul.f32 v27, v12  }
.LBB2_3:
0x56: {  	p0 =	sne.s32 s7, $0xFE00;
	v24 =	vld [tilespmem:s6+$0x81F0];
	v19 =	vmul.f32 v19, v5  }
0x57: {  	v25 =	vld [tilespmem:s6+$0x180];
	[tilespmem:s5+$0x101B0] =	vst v22;
	v21 =	vadd.f32 v23, v21;
	v17 =	vmul.f32 v17, v13  }
0x58: {  	v22 =	vld [tilespmem:s6+$0x8180];
	v18 =	vmul.f32 v18, v6  }
0x59: {  	v23 =	vld [tilespmem:s6+$0x190];
	[tilespmem:s5+$0x101C0] =	vst v21;
	v17 =	vadd.f32 v17, v19;
	v19 =	vmul.f32 v20, v14  }
0x5a: {  	v20 =	vld [tilespmem:s6+$0x8190]  }
0x5b: {  	v16 =	vmul.f32 v16, v7;
	v21 =	vld [tilespmem:s6+$0x1A0];
	v24 =	vmul.f32 v24, v15;
	[tilespmem:s5+$0x101D0] =	vst v17;
	v17 =	vadd.f32 v19, v18  }
0x5c: {  	v18 =	vmul.f32 v25, v0;
	v19 =	vld [tilespmem:s6+$0x81A0]  }
0x5d: {  	v22 =	vmul.f32 v22, v8;
	v25 =	vld [tilespmem:s6+$0x1B0];
	v16 =	vadd.f32 v24, v16;
	[tilespmem:s5+$0x101E0] =	vst v17;
	s5 =	smov.u32 s6  }
0x5e: {  	v17 =	vmul.f32 v23, v1;
	v23 =	vld [tilespmem:s5+$0x81B0]  }
0x5f: {  	v18 =	vadd.f32 v22, v18;
	v20 =	vmul.f32 v20, v9;
	v22 =	vld [tilespmem:s5+$0x1C0];
	[tilespmem:s5+$0x101F0] =	vst v16  }
0x60: {  	v16 =	vmul.f32 v21, v2;
	v24 =	vld [tilespmem:s5+$0x81C0]  }
.Ltmp2:
0x61: {  	[tilespmem:s5+$0x10180] =	vst v18;
	v18 =	vadd.f32 v20, v17;
	v20 =	vmul.f32 v19, v10;
	v19 =	vld [tilespmem:s5+$0x1D0];
	(pc) =	sbr.rel @p0 .LBB2_3-.Ltmp2, $4  }
0x62: {  	v25 =	vmul.f32 v25, v3;
	v17 =	vld [tilespmem:s5+$0x81D0]  }
0x63: {  	[tilespmem:s5+$0x10190] =	vst v18;
	v26 =	vadd.f32 v20, v16;
	v23 =	vmul.f32 v23, v11;
	v18 =	vld [tilespmem:s5+$0x1E0]  }
0x64: {  	s6 =	sshra.s32 s7, $0x2;
	v21 =	vmul.f32 v22, v4;
	v20 =	vld [tilespmem:s5+$0x81E0]  }
0x65: {  	s7 =	sadd.s32 $0x200, s7;
	v16 =	vld [tilespmem:s6+$0x1F0];
	[tilespmem:s5+$0x101A0] =	vst v26;
	v22 =	vadd.f32 v23, v25;
	v23 =	vmul.f32 v24, v12  }
0x66: {  	v24 =	vld [tilespmem:s6+$0x81F0]  }
0x67: {  	v25 =	vld [tilespmem:s6+$0x180];
	v19 =	vmul.f32 v19, v5;
	[tilespmem:s5+$0x101B0] =	vst v22;
	v21 =	vadd.f32 v23, v21;
	v17 =	vmul.f32 v17, v13  }
0x68: {  	v22 =	vld [tilespmem:s6+$0x8180]  }
0x69: {  	v23 =	vld [tilespmem:s6+$0x190];
	v18 =	vmul.f32 v18, v6;
	[tilespmem:s5+$0x101C0] =	vst v21;
	v17 =	vadd.f32 v17, v19;
	v20 =	vmul.f32 v20, v14  }
0x6a: {  	v19 =	vld [tilespmem:s6+$0x8190]  }
0x6b: {  	v21 =	vld [tilespmem:s6+$0x1A0];
	[tilespmem:s5+$0x101D0] =	vst v17;
	v17 =	vadd.f32 v20, v18  }
0x6c: {  	v16 =	vmul.f32 v16, v7;
	v20 =	vmul.f32 v24, v15;
	v18 =	vld [tilespmem:s6+$0x81A0]  }
0x6d: {  	v59 =	vld [tilespmem:s6+$0x1B0];
	[tilespmem:s5+$0x101E0] =	vst v17  }
0x6e: {  	v17 =	vmul.f32 v25, v0;
	v22 =	vmul.f32 v22, v8;
	v16 =	vadd.f32 v20, v16;
	v20 =	vld [tilespmem:s6+$0x81B0]  }
0x6f: {  	v60 =	vld [tilespmem:s6+$0x1C0]  }
0x70: {  	v17 =	vadd.f32 v22, v17;
	[tilespmem:s6+$0x101F0] =	vst v16;
	v16 =	vmul.f32 v23, v1;
	v19 =	vmul.f32 v19, v9;
	v22 =	vld [tilespmem:s6+$0x81C0]  }
0x71: {  	v23 =	vld [tilespmem:s6+$0x81E0]  }
0x72: {  	[tilespmem:s6+$0x10180] =	vst v17;
	v16 =	vadd.f32 v19, v16;
	v17 =	vld [tilespmem:s6+$0x1D0]  }
0x73: {  	v19 =	vld [tilespmem:s6+$0x81D0]  }
0x74: {  	[tilespmem:s6+$0x10190] =	vst v16;
	v16 =	vld [tilespmem:s6+$0x1E0]  }
0x75: {  	v21 =	vmul.f32 v21, v2;
	v18 =	vmul.f32 v18, v10  }
0x76: {  	v24 =	vmul.f32 v59, v3;
	v20 =	vmul.f32 v20, v11  }
0x77: {  	v18 =	vadd.f32 v18, v21;
	v21 =	vmul.f32 v60, v4;
	v22 =	vmul.f32 v22, v12  }
0x78: {  	v20 =	vadd.f32 v20, v24;
	v17 =	vmul.f32 v17, v5;
	v19 =	vmul.f32 v19, v13  }
0x79: {  	[tilespmem:s6+$0x101A0] =	vst v18;
	v18 =	vadd.f32 v22, v21;
	v21 =	vmul.f32 v23, v14;
	v16 =	vmul.f32 v16, v6  }
0x7a: {  	[tilespmem:s6+$0x101B0] =	vst v20;
	v17 =	vadd.f32 v19, v17  }
0x7b: {  	[tilespmem:s6+$0x101C0] =	vst v18;
	v16 =	vadd.f32 v21, v16  }
0x7c: {  	p0 =	seq.s32 s25, $0x0;
	[tilespmem:s6+$0x101D0] =	vst v17  }
0x7d: {  	s7 =	simm.s32 @!p0 $0x3;
	s5 =	sshll.u32 s25, $0x14;
	[tilespmem:s6+$0x101E0] =	vst v16  }
0x7e: {  	s11 =	sor.u32 s9, s5;
	_ =	swait.ge @!p0 [sflag:s7], $0x4000  }
0x7f: {  	p1 =	seq.s32 s25, $0x3F;
	s6 =	sshrl.u32 s11, $0x3;
	[sflag:s7] =	ssyncset.done @!p0 $0x0  }
0x80: {  	s12 =	sadd.s32 s3, s6;
	[sflag:s7] =	ssyncadd.s32 @!p0 $0xFFFFC000;
	s7 =	sadd.s32 @!p1 s14, s5  }
0x81: {  	[hbm4b:s12+s22] =	stream.strided.scatter [tilespmem:s29], [sflag:$0x3], $0x4000, s23, s22, $0x38;
	[tilespmem:$0x18180] =	vst v63  }
0x82: {  	s10 =	simm.s32 @!p1 $0x400;
	s7 =	sshrl.u32 @!p1 s7, $0x3  }
0x83: {  	s11 =	simm.s32 @!p1 $0x8000;
	s12 =	simm.s32 @!p1 $0x180;
	s8 =	sadd.s32 @!p1 s1, s7  }
0x84: {  	[tilespmem:s12], [sflag:$0x1] =	stream.strided.gather @!p1 [hbm4b:s8+s10], $0x4000, s11, s10, $0x38;
	[tilespmem:$0x18180] =	vst v63  }
0x85: {  	s7 =	sadd.s32 @!p1 s2, s7;
	s8 =	simm.s32 @!p1 $0x8180  }
0x86: {  	[tilespmem:s8], [sflag:$0x1] =	stream.strided.gather @!p1 [hbm4b:s7+s10], $0x4000, s11, s10, $0x38;
	[tilespmem:$0x18180] =	vst v63  }
0x87: {  	_ =	swait.ge [sflag:s30], $0x4000  }
0x88: {  	[sflag:s30] =	ssyncset.done $0x0  }
0x89: {  	[sflag:s30] =	ssyncadd.s32 $0xFFFFC000  }
0x8a: {  	_ =	swait.ge [sflag:s30], $0x4000  }
0x8b: {  	[sflag:s30] =	ssyncset.done $0x0  }
0x8c: {  	s7 =	simm.s32 $0x0;
	[sflag:s30] =	ssyncadd.s32 $0xFFFFC000  }
0x8d: {  	v16 =	vld [tilespmem:s7+$0x41F0]  }
0x8e: {  	v17 =	vld [tilespmem:s7+$0xC1F0]  }
0x8f: {  	v18 =	vld [tilespmem:s7+$0x4180]  }
0x90: {  	v19 =	vld [tilespmem:s7+$0xC180]  }
0x91: {  	v20 =	vld [tilespmem:s7+$0x4190]  }
0x92: {  	v21 =	vld [tilespmem:s7+$0xC190]  }
0x93: {  	v22 =	vld [tilespmem:s7+$0x41A0]  }
0x94: {  	v23 =	vld [tilespmem:s7+$0xC1A0];
	v16 =	vmul.f32 v16, v7;
	v17 =	vmul.f32 v17, v15  }
0x95: {  	v61 =	vld [tilespmem:s7+$0x41B0]  }
0x96: {  	v62 =	vld [tilespmem:s7+$0xC1B0];
	v18 =	vmul.f32 v18, v0;
	v19 =	vmul.f32 v19, v8;
	v16 =	vadd.f32 v17, v16  }
0x97: {  	v26 =	vld [tilespmem:s7+$0x41C0]  }
0x98: {  	v27 =	vld [tilespmem:s7+$0xC1C0];
	v17 =	vadd.f32 v19, v18;
	v18 =	vmul.f32 v21, v9;
	[tilespmem:s7+$0x141F0] =	vst v16;
	v16 =	vmul.f32 v20, v1  }
0x99: {  	v19 =	vld [tilespmem:s7+$0x41D0];
	v21 =	vmul.f32 v23, v10;
	v20 =	vmul.f32 v22, v2  }
0x9a: {  	[tilespmem:s7+$0x14180] =	vst v17;
	v17 =	vld [tilespmem:s7+$0xC1D0];
	v16 =	vadd.f32 v18, v16  }
0x9b: {  	v63 =	vmul.f32 v62, v11;
	v22 =	vmul.f32 v61, v3;
	v18 =	vld [tilespmem:s7+$0x41E0];
	v23 =	vadd.f32 v21, v20  }
0x9c: {  	s8 =	simm.s32 $0x80;
	v20 =	vld [tilespmem:s7+$0xC1E0];
	[tilespmem:s7+$0x14190] =	vst v16  }
0x9d: {  	s10 =	simm.s32 $0x400;
	v21 =	vmul.f32 v26, v4;
	v22 =	vadd.f32 v63, v22;
	v16 =	vld [tilespmem:s8+$0x41F0];
	[tilespmem:s7+$0x141A0] =	vst v23;
	v23 =	vmul.f32 v27, v12  }
.LBB2_5:
0x9e: {  	p2 =	sne.s32 s10, $0xFE00;
	v24 =	vld [tilespmem:s8+$0xC1F0];
	v19 =	vmul.f32 v19, v5  }
0x9f: {  	v25 =	vld [tilespmem:s8+$0x4180];
	[tilespmem:s7+$0x141B0] =	vst v22;
	v21 =	vadd.f32 v23, v21;
	v17 =	vmul.f32 v17, v13  }
0xa0: {  	v22 =	vld [tilespmem:s8+$0xC180];
	v18 =	vmul.f32 v18, v6  }
0xa1: {  	v23 =	vld [tilespmem:s8+$0x4190];
	[tilespmem:s7+$0x141C0] =	vst v21;
	v17 =	vadd.f32 v17, v19;
	v19 =	vmul.f32 v20, v14  }
0xa2: {  	v20 =	vld [tilespmem:s8+$0xC190]  }
0xa3: {  	v16 =	vmul.f32 v16, v7;
	v21 =	vld [tilespmem:s8+$0x41A0];
	v24 =	vmul.f32 v24, v15;
	[tilespmem:s7+$0x141D0] =	vst v17;
	v17 =	vadd.f32 v19, v18  }
0xa4: {  	v18 =	vmul.f32 v25, v0;
	v19 =	vld [tilespmem:s8+$0xC1A0]  }
0xa5: {  	v22 =	vmul.f32 v22, v8;
	v25 =	vld [tilespmem:s8+$0x41B0];
	v16 =	vadd.f32 v24, v16;
	[tilespmem:s7+$0x141E0] =	vst v17;
	s7 =	smov.u32 s8  }
0xa6: {  	v17 =	vmul.f32 v23, v1;
	v23 =	vld [tilespmem:s7+$0xC1B0]  }
0xa7: {  	v18 =	vadd.f32 v22, v18;
	v20 =	vmul.f32 v20, v9;
	v22 =	vld [tilespmem:s7+$0x41C0];
	[tilespmem:s7+$0x141F0] =	vst v16  }
0xa8: {  	v16 =	vmul.f32 v21, v2;
	v24 =	vld [tilespmem:s7+$0xC1C0]  }
.Ltmp3:
0xa9: {  	[tilespmem:s7+$0x14180] =	vst v18;
	v18 =	vadd.f32 v20, v17;
	v20 =	vmul.f32 v19, v10;
	v19 =	vld [tilespmem:s7+$0x41D0];
	(pc) =	sbr.rel @p2 .LBB2_5-.Ltmp3, $4  }
0xaa: {  	v25 =	vmul.f32 v25, v3;
	v17 =	vld [tilespmem:s7+$0xC1D0]  }
0xab: {  	[tilespmem:s7+$0x14190] =	vst v18;
	v26 =	vadd.f32 v20, v16;
	v23 =	vmul.f32 v23, v11;
	v18 =	vld [tilespmem:s7+$0x41E0]  }
0xac: {  	s8 =	sshra.s32 s10, $0x2;
	v21 =	vmul.f32 v22, v4;
	v20 =	vld [tilespmem:s7+$0xC1E0]  }
0xad: {  	s10 =	sadd.s32 $0x200, s10;
	v16 =	vld [tilespmem:s8+$0x41F0];
	[tilespmem:s7+$0x141A0] =	vst v26;
	v22 =	vadd.f32 v23, v25;
	v23 =	vmul.f32 v24, v12  }
0xae: {  	v24 =	vld [tilespmem:s8+$0xC1F0]  }
0xaf: {  	v25 =	vld [tilespmem:s8+$0x4180];
	v19 =	vmul.f32 v19, v5;
	[tilespmem:s7+$0x141B0] =	vst v22;
	v21 =	vadd.f32 v23, v21;
	v17 =	vmul.f32 v17, v13  }
0xb0: {  	v22 =	vld [tilespmem:s8+$0xC180]  }
0xb1: {  	v51 =	vld [tilespmem:s8+$0x4190];
	v18 =	vmul.f32 v18, v6;
	[tilespmem:s7+$0x141C0] =	vst v21;
	v17 =	vadd.f32 v17, v19;
	v20 =	vmul.f32 v20, v14  }
0xb2: {  	v52 =	vld [tilespmem:s8+$0xC190]  }
0xb3: {  	v21 =	vld [tilespmem:s8+$0x41A0];
	[tilespmem:s7+$0x141D0] =	vst v17;
	v17 =	vadd.f32 v20, v18  }
0xb4: {  	v16 =	vmul.f32 v16, v7;
	v54 =	vmul.f32 v24, v15;
	v53 =	vld [tilespmem:s8+$0xC1A0]  }
0xb5: {  	v55 =	vld [tilespmem:s8+$0x41B0];
	[tilespmem:s7+$0x141E0] =	vst v17  }
0xb6: {  	v16 =	vadd.f32 v54, v16;
	v56 =	vld [tilespmem:s8+$0xC1B0]  }
0xb7: {  	v17 =	vmul.f32 v25, v0;
	v22 =	vmul.f32 v22, v8;
	v57 =	vld [tilespmem:s8+$0x41C0]  }
0xb8: {  	v58 =	vld [tilespmem:s8+$0xC1C0];
	[tilespmem:s8+$0x141F0] =	vst v16;
	v16 =	vmul.f32 v51, v1;
	v19 =	vmul.f32 v52, v9  }
0xb9: {  	v59 =	vld [tilespmem:s8+$0xC1D0];
	v17 =	vadd.f32 v22, v17  }
0xba: {  	v60 =	vld [tilespmem:s8+$0xC1E0];
	v16 =	vadd.f32 v19, v16  }
0xbb: {  	[tilespmem:s8+$0x14180] =	vst v17;
	v17 =	vld [tilespmem:s8+$0x41D0]  }
0xbc: {  	[tilespmem:s8+$0x14190] =	vst v16;
	v16 =	vld [tilespmem:s8+$0x41E0]  }
0xbd: {  	v21 =	vmul.f32 v21, v2;
	v18 =	vmul.f32 v53, v10  }
0xbe: {  	v24 =	vmul.f32 v55, v3;
	v20 =	vmul.f32 v56, v11  }
0xbf: {  	v18 =	vadd.f32 v18, v21;
	v61 =	vmul.f32 v57, v4;
	v22 =	vmul.f32 v58, v12  }
0xc0: {  	v19 =	vmul.f32 v59, v13;
	v20 =	vadd.f32 v20, v24;
	v17 =	vmul.f32 v17, v5  }
0xc1: {  	v63 =	vmul.f32 v60, v14;
	[tilespmem:s8+$0x141A0] =	vst v18;
	v62 =	vadd.f32 v22, v61;
	v16 =	vmul.f32 v16, v6  }
0xc2: {  	[tilespmem:s8+$0x141B0] =	vst v20;
	v17 =	vadd.f32 v19, v17  }
0xc3: {  	[tilespmem:s8+$0x141C0] =	vst v62;
	v16 =	vadd.f32 v63, v16  }
0xc4: {  	[tilespmem:s8+$0x141D0] =	vst v17  }
.Ltmp4:
0xc5: {  	s7 =	simm.s32 @!p0 $0x4;
	[tilespmem:s8+$0x141E0] =	vst v16;
	(pc) =	sbr.rel @p1 .LBB2_8-.Ltmp4, $4  }
0xc6: {  	_ =	swait.ge @!p0 [sflag:s7], $0x4000  }
0xc7: {  	[sflag:s7] =	ssyncset.done @!p0 $0x0  }
0xc8: {  	s6 =	sadd.s32 s6, s16;
	[sflag:s7] =	ssyncadd.s32 @!p0 $0xFFFFC000  }
0xc9: {  	[hbm4b:s6+s22] =	stream.strided.scatter [tilespmem:s31], [sflag:$0x4], $0x4000, s23, s22, $0x38;
	[tilespmem:$0x18180] =	vst v63  }
0xca: {  	s5 =	sadd.s32 s15, s5  }
.Ltmp5:
0xcb: {  	s5 =	sshrl.u32 s5, $0x3;
	(pc) =	sbr.rel .LBB2_2-.Ltmp5, $4  }
0xcc: {  	s6 =	sadd.s32 s1, s5  }
0xcd: {  	[tilespmem:s26], [sflag:$0x2] =	stream.strided.gather [hbm4b:s6+s22], $0x4000, s23, s22, $0x38;
	[tilespmem:$0x18180] =	vst v63  }
0xce: {  	s25 =	sadd.s32 $0x1, s25;
	s5 =	sadd.s32 s2, s5  }
0xcf: {  	[tilespmem:s28], [sflag:$0x2] =	stream.strided.gather [hbm4b:s5+s22], $0x4000, s23, s22, $0x38;
	[tilespmem:$0x18180] =	vst v63  }
.LBB2_9:
0xd0: {  	_ =	sfence.sel $0x180000  }
0xd1: {  	[bflag:$0x0] =	sbarrier.arrive $0xFFFF  }
0xd2: {  	_ =	strace $0x90000047  }
0xd3: {  	s0 =	stileid.u32;
	[bflag:$0x2] =	sbarrier.arrive $0xFFFF  }
0xd4: {  	p0 =	sne.s32 s0, $0x0;
	s0 =	rddreg [dreg:$0x5]  }
0xd5: {  	s0 =	sadd.s32 @!p0 $0x100000, s0  }
0xd6: {  	[sflag:s0] =	ssyncadd.tile.s32 @!p0 $0x1;
	_ =	shalt  }
.Lfunc_end2:
_tile_overlayer_lowered:
.L_overlay_start_2:
0xd7: {  	(tag) =	ssettag $0x2  }
0xd8: {  	s0 =	rddreg [dreg:$0x0];
	s2 =	stileid.u32  }
0xd9: {  	s1 =	rddreg [dreg:$0x1];
	p0 =	sne.s32 s2, $0x0  }
0xda: {  	s3 =	rddreg [dreg:$0x2];
	[bflag:$0x3] =	sbarrier.arrive $0xFFFF;
	s2 =	simm.s32 @!p0 $0x1C05  }
0xdb: {  	[timem:s3], [sflag:s2] =	dma.local @!p0 [hbm:s0], s1  }
0xdc: {  	s0 =	simm.s32 @!p0 $0x5  }
0xdd: {  	_ =	swait.ge @!p0 [sflag:s0], s1  }
0xde: {  	s1 =	ssub.s32 @!p0 $0x0, s1;
	[sflag:s0] =	ssyncset.done @!p0 $0x0  }
0xdf: {  	[sflag:s0] =	ssyncadd.s32 @!p0 s1  }
0xe0: {  	[bflag:$0x3] =	sbarrier.arrive $0xFFFF  }
0xe1: {  	_ =	shalt  }

</sc_bundles>
